<compile_context>
chip_gen: v7x
topology: tpu7x:2x2x1
jax: 0.10.2.dev20260603
libtpu: 0.0.44.dev20260713+nightly
codegen_flags: <defaults>
</compile_context>

<pallas_src>
import jax
import jax.numpy as jnp
from jax import lax
from jax.experimental import pallas as pl
from jax.experimental.pallas import tpu as pltpu
from jax.experimental.pallas import tpu_sc as plsc

OUT = 4096
IN = 4096
NC = 2
NS = 16
NW = NC * NS
ROWS_PER_W = OUT // NW
CH = 4
NCHUNK = ROWS_PER_W // CH
LANES = 16


def _bcast_row(vec_ref, lrow):
    v16 = vec_ref[pl.ds((lrow // LANES) * LANES, LANES)]
    return lax.gather(
        v16,
        jnp.full((LANES, 1), lrow % LANES, jnp.int32),
        lax.GatherDimensionNumbers(
            offset_dims=(),
            collapsed_slice_dims=(0,),
            start_index_map=(0,),
        ),
        slice_sizes=(1,),
        mode=lax.GatherScatterMode.PROMISE_IN_BOUNDS,
    )


NBUF = 3


def _sc_body(w_hbm, t_hbm, o_hbm, t_v, s_v,
             in0, in1, in2, o0, o1, o2,
             si0, si1, si2, so0, so1, so2):
    wid = lax.axis_index("s") * NC + lax.axis_index("c")
    base = wid * ROWS_PER_W

    pltpu.sync_copy(t_hbm.at[pl.ds(base, ROWS_PER_W)], t_v)
    for i in range(ROWS_PER_W // LANES):
        t16 = t_v[pl.ds(i * LANES, LANES)]
        s_v[pl.ds(i * LANES, LANES)] = 1.0 / (1.0 + jnp.exp(-t16))

    ins, outs = (in0, in1, in2), (o0, o1, o2)
    isems, osems = (si0, si1, si2), (so0, so1, so2)

    def in_slice(g):
        return w_hbm.at[pl.ds(base + g * CH, CH)]

    def out_slice(g):
        return o_hbm.at[pl.ds(base + g * CH, CH)]

    for p in range(NBUF - 1):
        pltpu.async_copy(in_slice(p), ins[p], isems[p])
    for g in range(NCHUNK):
        b = g % NBUF
        if g + NBUF - 1 < NCHUNK:
            nb = (g + NBUF - 1) % NBUF
            if g >= 1:
                pltpu.make_async_copy(
                    ins[nb], out_slice(g - 1), osems[nb]
                ).wait()
            pltpu.async_copy(in_slice(g + NBUF - 1), ins[nb], isems[nb])
        pltpu.make_async_copy(in_slice(g), ins[b], isems[b]).wait()
        pltpu.async_copy(ins[b], out_slice(g), osems[b])

    for g in range(NCHUNK - NBUF, NCHUNK):
        b = g % NBUF
        pltpu.make_async_copy(ins[b], out_slice(g), osems[b]).wait()


def kernel(weight, threshold, alpha):
    del alpha
    mesh = plsc.VectorSubcoreMesh(
        core_axis_name="c", subcore_axis_name="s"
    )
    sc_kernel = pl.kernel(
        _sc_body,
        out_type=jax.ShapeDtypeStruct((OUT, IN), jnp.float32),
        mesh=mesh,
        scratch_types=[
            pltpu.VMEM((ROWS_PER_W,), jnp.float32),
            pltpu.VMEM((ROWS_PER_W,), jnp.float32),
            pltpu.VMEM((CH, IN), jnp.float32),
            pltpu.VMEM((CH, IN), jnp.float32),
            pltpu.VMEM((CH, IN), jnp.float32),
            pltpu.VMEM((CH, IN), jnp.float32),
            pltpu.VMEM((CH, IN), jnp.float32),
            pltpu.VMEM((CH, IN), jnp.float32),
            pltpu.SemaphoreType.DMA,
            pltpu.SemaphoreType.DMA,
            pltpu.SemaphoreType.DMA,
            pltpu.SemaphoreType.DMA,
            pltpu.SemaphoreType.DMA,
            pltpu.SemaphoreType.DMA,
        ],
    )
    return sc_kernel(weight, jnp.reshape(threshold, (OUT,)))

# --- scband reference (transcript-rebuilt; emitter-appended) ---
"""Pipeline reference for scband-auto-sparse-torch-56556129354185 (READ-ONLY COPY).

The authoritative reference and input builder live on the scoring server;
editing this copy changes nothing except your own understanding.
"""

import jax, jax.numpy as jnp
import numpy as np

OUT = 4096
IN = 4096

def setup_inputs(seed: int = 0) -> dict:
    key = jax.random.key(seed)
    k1, k2 = jax.random.split(key)
    weight = jax.random.normal(k1, (OUT, IN), dtype=jnp.float32)
    # threshold: channelwise -> (out_size, 1), init -5.0
    threshold = jnp.ones((OUT, 1), dtype=jnp.float32) * (-5.0)
    alpha = jnp.asarray(1.0, dtype=jnp.float32)
    return {"weight": weight, "threshold": threshold, "alpha": alpha}

def reference(weight, threshold, alpha):
    # get_mask: w_t = |W_reshaped| - sigmoid(threshold)
    w2d = weight.reshape(weight.shape[0], -1)
    w_t = jnp.abs(w2d) - jax.nn.sigmoid(threshold)
    # AutoSparsePruner.forward: mask = relu(w_t); also computes kth value via topk
    x_flat = w_t.reshape(-1)
    k = int(x_flat.size * 0.5)
    topks = jax.lax.top_k(x_flat, k)[0]
    kth_value = topks[-1]  # computed in fwd, only used in bwd; keep for fidelity
    mask = jax.nn.relu(w_t)
    out = jnp.sign(weight) * mask.reshape(weight.shape)
    return out

if __name__ == "__main__":
    import jax
    _d = setup_inputs()
    print(jax.jit(kernel)(*tuple(_d.values())))

</pallas_src>

<mosaic_0001>
#map = affine_map<(d0, d1) -> (0, 0)>
#map1 = affine_map<(d0, d1) -> (0)>
module attributes {stable_mosaic.version = 14 : i64} {
  func.func @_sc_body(%arg0: i32, %arg1: i32, %arg2: memref<4096x4096xf32, #tpu.memory_space<hbm>>, %arg3: memref<4096xf32, #tpu.memory_space<hbm>>, %arg4: memref<4096x4096xf32, #tpu.memory_space<hbm>>, %arg5: memref<128xf32, #tpu.memory_space<vmem>>, %arg6: memref<128xf32, #tpu.memory_space<vmem>>, %arg7: memref<4x4096xf32, #tpu.memory_space<vmem>>, %arg8: memref<4x4096xf32, #tpu.memory_space<vmem>>, %arg9: memref<4x4096xf32, #tpu.memory_space<vmem>>, %arg10: memref<4x4096xf32, #tpu.memory_space<vmem>>, %arg11: memref<4x4096xf32, #tpu.memory_space<vmem>>, %arg12: memref<4x4096xf32, #tpu.memory_space<vmem>>, %arg13: memref<!tpu.dma_semaphore, #tpu.memory_space<semaphore_mem>>, %arg14: memref<!tpu.dma_semaphore, #tpu.memory_space<semaphore_mem>>, %arg15: memref<!tpu.dma_semaphore, #tpu.memory_space<semaphore_mem>>, %arg16: memref<!tpu.dma_semaphore, #tpu.memory_space<semaphore_mem>>, %arg17: memref<!tpu.dma_semaphore, #tpu.memory_space<semaphore_mem>>, %arg18: memref<!tpu.dma_semaphore, #tpu.memory_space<semaphore_mem>>) attributes {dimension_semantics = [#tpu.dimension_semantics<core_parallel>, #tpu.dimension_semantics<subcore_parallel>], iteration_bounds = array<i64: 2, 16>, scalar_prefetch = 0 : i64, scratch_operands = 14 : i64, tpu.core_type = #tpu.core_type<sc_vector_subcore>, window_params = [{transform_indices = #map}, {transform_indices = #map1}, {transform_indices = #map}]} {
    %mul3A = arith.constant 2 : i32
    %mul3A_0 = arith.muli %arg1, %mul3A : i32
    %add3A = arith.addi %mul3A_0, %arg0 : i32
    %mul3A_1 = arith.constant 128 : i32
    %mul3A_2 = arith.muli %add3A, %mul3A_1 : i32
    "tpu.region"() ({
      %run_scoped3A = tpu.sem_alloc : memref<!tpu.dma_semaphore, #tpu.memory_space<semaphore_mem>>
      %dma_start3A_900 = tpu.memref_slice %arg3[%mul3A_2] : memref<4096xf32, #tpu.memory_space<hbm>> -> memref<128xf32, #tpu.memory_space<hbm>>
      %dma_start3A_901 = tpu.memref_slice %arg3[%mul3A_2] : memref<4096xf32, #tpu.memory_space<hbm>> -> memref<128xf32, #tpu.memory_space<hbm>>
      tpu.enqueue_dma source(%dma_start3A_901 : memref<128xf32, #tpu.memory_space<hbm>>) target(%arg5 : memref<128xf32, #tpu.memory_space<vmem>>) target_semaphore(%run_scoped3A : memref<!tpu.dma_semaphore, #tpu.memory_space<semaphore_mem>>)
      %dma_wait3A_902 = tpu.memref_slice %arg3[%mul3A_2] : memref<4096xf32, #tpu.memory_space<hbm>> -> memref<128xf32, #tpu.memory_space<hbm>>
      %dma_wait3A_903 = tpu.memref_slice %arg3[%mul3A_2] : memref<4096xf32, #tpu.memory_space<hbm>> -> memref<128xf32, #tpu.memory_space<hbm>>
      tpu.wait_dma2 semaphore(%run_scoped3A : memref<!tpu.dma_semaphore, #tpu.memory_space<semaphore_mem>>) src(%dma_wait3A_903 : memref<128xf32, #tpu.memory_space<hbm>>) dst(%arg5 : memref<128xf32, #tpu.memory_space<vmem>>)
      tpu.yield
    }) : () -> ()
    %get3A = arith.constant 0 : index
    %get3A_3 = tpu.vector_load %arg5[%get3A] {strides = array<i32>} : memref<128xf32, #tpu.memory_space<vmem>>, vector<16xf32>,
    %get3A_4 = vector.shape_cast %get3A_3 : vector<16xf32> to vector<16xf32>
    %neg3A = arith.constant 0.000000e+00 : f32
    %neg3A_5 = vector.broadcast %neg3A : f32 to vector<16xf32>
    %neg3A_6 = arith.subf %neg3A_5, %get3A_4 : vector<16xf32>
    %exp3A = math.exp %neg3A_6 : vector<16xf32>
    %add3A_7 = arith.constant 1.000000e+00 : f32
    %add3A_8 = vector.broadcast %add3A_7 : f32 to vector<16xf32>
    %add3A_9 = arith.addf %add3A_8, %exp3A : vector<16xf32>
    %div3A = arith.constant 1.000000e+00 : f32
    %div3A_10 = vector.broadcast %div3A : f32 to vector<16xf32>
    %div3A_11 = arith.divf %div3A_10, %add3A_9 : vector<16xf32>
    %swap3A = arith.constant 0 : index
    %swap3A_12 = tpu.vector_load %arg6[%swap3A] {strides = array<i32>} : memref<128xf32, #tpu.memory_space<vmem>>, vector<16xf32>,
    %swap3A_13 = vector.shape_cast %swap3A_12 : vector<16xf32> to vector<16xf32>
    %swap3A_14 = vector.shape_cast %div3A_11 : vector<16xf32> to vector<16xf32>
    tpu.vector_store %arg6[%swap3A], %swap3A_14 {strides = array<i32>} : memref<128xf32, #tpu.memory_space<vmem>>, vector<16xf32>,
    %get3A_15 = arith.constant 16 : index
    %get3A_16 = tpu.vector_load %arg5[%get3A_15] {strides = array<i32>} : memref<128xf32, #tpu.memory_space<vmem>>, vector<16xf32>,
    %get3A_17 = vector.shape_cast %get3A_16 : vector<16xf32> to vector<16xf32>
    %neg3A_18 = arith.constant 0.000000e+00 : f32
    %neg3A_19 = vector.broadcast %neg3A_18 : f32 to vector<16xf32>
    %neg3A_20 = arith.subf %neg3A_19, %get3A_17 : vector<16xf32>
    %exp3A_21 = math.exp %neg3A_20 : vector<16xf32>
    %add3A_22 = arith.constant 1.000000e+00 : f32
    %add3A_23 = vector.broadcast %add3A_22 : f32 to vector<16xf32>
    %add3A_24 = arith.addf %add3A_23, %exp3A_21 : vector<16xf32>
    %div3A_25 = arith.constant 1.000000e+00 : f32
    %div3A_26 = vector.broadcast %div3A_25 : f32 to vector<16xf32>
    %div3A_27 = arith.divf %div3A_26, %add3A_24 : vector<16xf32>
    %swap3A_28 = arith.constant 16 : index
    %swap3A_29 = tpu.vector_load %arg6[%swap3A_28] {strides = array<i32>} : memref<128xf32, #tpu.memory_space<vmem>>, vector<16xf32>,
    %swap3A_30 = vector.shape_cast %swap3A_29 : vector<16xf32> to vector<16xf32>
    %swap3A_31 = vector.shape_cast %div3A_27 : vector<16xf32> to vector<16xf32>
    tpu.vector_store %arg6[%swap3A_28], %swap3A_31 {strides = array<i32>} : memref<128xf32, #tpu.memory_space<vmem>>, vector<16xf32>,
    %get3A_32 = arith.constant 32 : index
    %get3A_33 = tpu.vector_load %arg5[%get3A_32] {strides = array<i32>} : memref<128xf32, #tpu.memory_space<vmem>>, vector<16xf32>,
    %get3A_34 = vector.shape_cast %get3A_33 : vector<16xf32> to vector<16xf32>
    %neg3A_35 = arith.constant 0.000000e+00 : f32
    %neg3A_36 = vector.broadcast %neg3A_35 : f32 to vector<16xf32>
    %neg3A_37 = arith.subf %neg3A_36, %get3A_34 : vector<16xf32>
    %exp3A_38 = math.exp %neg3A_37 : vector<16xf32>
    %add3A_39 = arith.constant 1.000000e+00 : f32
    %add3A_40 = vector.broadcast %add3A_39 : f32 to vector<16xf32>
    %add3A_41 = arith.addf %add3A_40, %exp3A_38 : vector<16xf32>
    %div3A_42 = arith.constant 1.000000e+00 : f32
    %div3A_43 = vector.broadcast %div3A_42 : f32 to vector<16xf32>
    %div3A_44 = arith.divf %div3A_43, %add3A_41 : vector<16xf32>
    %swap3A_45 = arith.constant 32 : index
    %swap3A_46 = tpu.vector_load %arg6[%swap3A_45] {strides = array<i32>} : memref<128xf32, #tpu.memory_space<vmem>>, vector<16xf32>,
    %swap3A_47 = vector.shape_cast %swap3A_46 : vector<16xf32> to vector<16xf32>
    %swap3A_48 = vector.shape_cast %div3A_44 : vector<16xf32> to vector<16xf32>
    tpu.vector_store %arg6[%swap3A_45], %swap3A_48 {strides = array<i32>} : memref<128xf32, #tpu.memory_space<vmem>>, vector<16xf32>,
    %get3A_49 = arith.constant 48 : index
    %get3A_50 = tpu.vector_load %arg5[%get3A_49] {strides = array<i32>} : memref<128xf32, #tpu.memory_space<vmem>>, vector<16xf32>,
    %get3A_51 = vector.shape_cast %get3A_50 : vector<16xf32> to vector<16xf32>
    %neg3A_52 = arith.constant 0.000000e+00 : f32
    %neg3A_53 = vector.broadcast %neg3A_52 : f32 to vector<16xf32>
    %neg3A_54 = arith.subf %neg3A_53, %get3A_51 : vector<16xf32>
    %exp3A_55 = math.exp %neg3A_54 : vector<16xf32>
    %add3A_56 = arith.constant 1.000000e+00 : f32
    %add3A_57 = vector.broadcast %add3A_56 : f32 to vector<16xf32>
    %add3A_58 = arith.addf %add3A_57, %exp3A_55 : vector<16xf32>
    %div3A_59 = arith.constant 1.000000e+00 : f32
    %div3A_60 = vector.broadcast %div3A_59 : f32 to vector<16xf32>
    %div3A_61 = arith.divf %div3A_60, %add3A_58 : vector<16xf32>
    %swap3A_62 = arith.constant 48 : index
    %swap3A_63 = tpu.vector_load %arg6[%swap3A_62] {strides = array<i32>} : memref<128xf32, #tpu.memory_space<vmem>>, vector<16xf32>,
    %swap3A_64 = vector.shape_cast %swap3A_63 : vector<16xf32> to vector<16xf32>
    %swap3A_65 = vector.shape_cast %div3A_61 : vector<16xf32> to vector<16xf32>
    tpu.vector_store %arg6[%swap3A_62], %swap3A_65 {strides = array<i32>} : memref<128xf32, #tpu.memory_space<vmem>>, vector<16xf32>,
    %get3A_66 = arith.constant 64 : index
    %get3A_67 = tpu.vector_load %arg5[%get3A_66] {strides = array<i32>} : memref<128xf32, #tpu.memory_space<vmem>>, vector<16xf32>,
    %get3A_68 = vector.shape_cast %get3A_67 : vector<16xf32> to vector<16xf32>
    %neg3A_69 = arith.constant 0.000000e+00 : f32
    %neg3A_70 = vector.broadcast %neg3A_69 : f32 to vector<16xf32>
    %neg3A_71 = arith.subf %neg3A_70, %get3A_68 : vector<16xf32>
    %exp3A_72 = math.exp %neg3A_71 : vector<16xf32>
    %add3A_73 = arith.constant 1.000000e+00 : f32
    %add3A_74 = vector.broadcast %add3A_73 : f32 to vector<16xf32>
    %add3A_75 = arith.addf %add3A_74, %exp3A_72 : vector<16xf32>
    %div3A_76 = arith.constant 1.000000e+00 : f32
    %div3A_77 = vector.broadcast %div3A_76 : f32 to vector<16xf32>
    %div3A_78 = arith.divf %div3A_77, %add3A_75 : vector<16xf32>
    %swap3A_79 = arith.constant 64 : index
    %swap3A_80 = tpu.vector_load %arg6[%swap3A_79] {strides = array<i32>} : memref<128xf32, #tpu.memory_space<vmem>>, vector<16xf32>,
    %swap3A_81 = vector.shape_cast %swap3A_80 : vector<16xf32> to vector<16xf32>
    %swap3A_82 = vector.shape_cast %div3A_78 : vector<16xf32> to vector<16xf32>
    tpu.vector_store %arg6[%swap3A_79], %swap3A_82 {strides = array<i32>} : memref<128xf32, #tpu.memory_space<vmem>>, vector<16xf32>,
    %get3A_83 = arith.constant 80 : index
    %get3A_84 = tpu.vector_load %arg5[%get3A_83] {strides = array<i32>} : memref<128xf32, #tpu.memory_space<vmem>>, vector<16xf32>,
    %get3A_85 = vector.shape_cast %get3A_84 : vector<16xf32> to vector<16xf32>
    %neg3A_86 = arith.constant 0.000000e+00 : f32
    %neg3A_87 = vector.broadcast %neg3A_86 : f32 to vector<16xf32>
    %neg3A_88 = arith.subf %neg3A_87, %get3A_85 : vector<16xf32>
    %exp3A_89 = math.exp %neg3A_88 : vector<16xf32>
    %add3A_90 = arith.constant 1.000000e+00 : f32
    %add3A_91 = vector.broadcast %add3A_90 : f32 to vector<16xf32>
    %add3A_92 = arith.addf %add3A_91, %exp3A_89 : vector<16xf32>
    %div3A_93 = arith.constant 1.000000e+00 : f32
    %div3A_94 = vector.broadcast %div3A_93 : f32 to vector<16xf32>
    %div3A_95 = arith.divf %div3A_94, %add3A_92 : vector<16xf32>
    %swap3A_96 = arith.constant 80 : index
    %swap3A_97 = tpu.vector_load %arg6[%swap3A_96] {strides = array<i32>} : memref<128xf32, #tpu.memory_space<vmem>>, vector<16xf32>,
    %swap3A_98 = vector.shape_cast %swap3A_97 : vector<16xf32> to vector<16xf32>
    %swap3A_99 = vector.shape_cast %div3A_95 : vector<16xf32> to vector<16xf32>
    tpu.vector_store %arg6[%swap3A_96], %swap3A_99 {strides = array<i32>} : memref<128xf32, #tpu.memory_space<vmem>>, vector<16xf32>,
    %get3A_100 = arith.constant 96 : index
    %get3A_101 = tpu.vector_load %arg5[%get3A_100] {strides = array<i32>} : memref<128xf32, #tpu.memory_space<vmem>>, vector<16xf32>,
    %get3A_102 = vector.shape_cast %get3A_101 : vector<16xf32> to vector<16xf32>
    %neg3A_103 = arith.constant 0.000000e+00 : f32
    %neg3A_104 = vector.broadcast %neg3A_103 : f32 to vector<16xf32>
    %neg3A_105 = arith.subf %neg3A_104, %get3A_102 : vector<16xf32>
    %exp3A_106 = math.exp %neg3A_105 : vector<16xf32>
    %add3A_107 = arith.constant 1.000000e+00 : f32
    %add3A_108 = vector.broadcast %add3A_107 : f32 to vector<16xf32>
    %add3A_109 = arith.addf %add3A_108, %exp3A_106 : vector<16xf32>
    %div3A_110 = arith.constant 1.000000e+00 : f32
    %div3A_111 = vector.broadcast %div3A_110 : f32 to vector<16xf32>
    %div3A_112 = arith.divf %div3A_111, %add3A_109 : vector<16xf32>
    %swap3A_113 = arith.constant 96 : index
    %swap3A_114 = tpu.vector_load %arg6[%swap3A_113] {strides = array<i32>} : memref<128xf32, #tpu.memory_space<vmem>>, vector<16xf32>,
    %swap3A_115 = vector.shape_cast %swap3A_114 : vector<16xf32> to vector<16xf32>
    %swap3A_116 = vector.shape_cast %div3A_112 : vector<16xf32> to vector<16xf32>
    tpu.vector_store %arg6[%swap3A_113], %swap3A_116 {strides = array<i32>} : memref<128xf32, #tpu.memory_space<vmem>>, vector<16xf32>,
    %get3A_117 = arith.constant 112 : index
    %get3A_118 = tpu.vector_load %arg5[%get3A_117] {strides = array<i32>} : memref<128xf32, #tpu.memory_space<vmem>>, vector<16xf32>,
    %get3A_119 = vector.shape_cast %get3A_118 : vector<16xf32> to vector<16xf32>
    %neg3A_120 = arith.constant 0.000000e+00 : f32
    %neg3A_121 = vector.broadcast %neg3A_120 : f32 to vector<16xf32>
    %neg3A_122 = arith.subf %neg3A_121, %get3A_119 : vector<16xf32>
    %exp3A_123 = math.exp %neg3A_122 : vector<16xf32>
    %add3A_124 = arith.constant 1.000000e+00 : f32
    %add3A_125 = vector.broadcast %add3A_124 : f32 to vector<16xf32>
    %add3A_126 = arith.addf %add3A_125, %exp3A_123 : vector<16xf32>
    %div3A_127 = arith.constant 1.000000e+00 : f32
    %div3A_128 = vector.broadcast %div3A_127 : f32 to vector<16xf32>
    %div3A_129 = arith.divf %div3A_128, %add3A_126 : vector<16xf32>
    %swap3A_130 = arith.constant 112 : index
    %swap3A_131 = tpu.vector_load %arg6[%swap3A_130] {strides = array<i32>} : memref<128xf32, #tpu.memory_space<vmem>>, vector<16xf32>,
    %swap3A_132 = vector.shape_cast %swap3A_131 : vector<16xf32> to vector<16xf32>
    %swap3A_133 = vector.shape_cast %div3A_129 : vector<16xf32> to vector<16xf32>
    tpu.vector_store %arg6[%swap3A_130], %swap3A_133 {strides = array<i32>} : memref<128xf32, #tpu.memory_space<vmem>>, vector<16xf32>,
    %add3A_134 = arith.constant 0 : i32
    %add3A_135 = arith.addi %mul3A_2, %add3A_134 : i32
    %dma_start3A = arith.constant 0 : i32
    %dma_start3A_136 = tpu.memref_slice %arg2[%add3A_135, %dma_start3A] : memref<4096x4096xf32, #tpu.memory_space<hbm>> -> memref<4x4096xf32, #tpu.memory_space<hbm>>
    %dma_start3A_137 = arith.constant 0 : i32
    %dma_start3A_138 = tpu.memref_slice %arg2[%add3A_135, %dma_start3A_137] : memref<4096x4096xf32, #tpu.memory_space<hbm>> -> memref<4x4096xf32, #tpu.memory_space<hbm>>
    tpu.enqueue_dma source(%dma_start3A_138 : memref<4x4096xf32, #tpu.memory_space<hbm>>) target(%arg7 : memref<4x4096xf32, #tpu.memory_space<vmem>>) target_semaphore(%arg13 : memref<!tpu.dma_semaphore, #tpu.memory_space<semaphore_mem>>)
    %add3A_139 = arith.constant 4 : i32
    %add3A_140 = arith.addi %mul3A_2, %add3A_139 : i32
    %dma_start3A_141 = arith.constant 0 : i32
    %dma_start3A_142 = tpu.memref_slice %arg2[%add3A_140, %dma_start3A_141] : memref<4096x4096xf32, #tpu.memory_space<hbm>> -> memref<4x4096xf32, #tpu.memory_space<hbm>>
    %dma_start3A_143 = arith.constant 0 : i32
    %dma_start3A_144 = tpu.memref_slice %arg2[%add3A_140, %dma_start3A_143] : memref<4096x4096xf32, #tpu.memory_space<hbm>> -> memref<4x4096xf32, #tpu.memory_space<hbm>>
    tpu.enqueue_dma source(%dma_start3A_144 : memref<4x4096xf32, #tpu.memory_space<hbm>>) target(%arg8 : memref<4x4096xf32, #tpu.memory_space<vmem>>) target_semaphore(%arg14 : memref<!tpu.dma_semaphore, #tpu.memory_space<semaphore_mem>>)
    %add3A_145 = arith.constant 8 : i32
    %add3A_146 = arith.addi %mul3A_2, %add3A_145 : i32
    %dma_start3A_147 = arith.constant 0 : i32
    %dma_start3A_148 = tpu.memref_slice %arg2[%add3A_146, %dma_start3A_147] : memref<4096x4096xf32, #tpu.memory_space<hbm>> -> memref<4x4096xf32, #tpu.memory_space<hbm>>
    %dma_start3A_149 = arith.constant 0 : i32
    %dma_start3A_150 = tpu.memref_slice %arg2[%add3A_146, %dma_start3A_149] : memref<4096x4096xf32, #tpu.memory_space<hbm>> -> memref<4x4096xf32, #tpu.memory_space<hbm>>
    tpu.enqueue_dma source(%dma_start3A_150 : memref<4x4096xf32, #tpu.memory_space<hbm>>) target(%arg9 : memref<4x4096xf32, #tpu.memory_space<vmem>>) target_semaphore(%arg15 : memref<!tpu.dma_semaphore, #tpu.memory_space<semaphore_mem>>)
    %add3A_151 = arith.constant 0 : i32
    %add3A_152 = arith.addi %mul3A_2, %add3A_151 : i32
    %dma_wait3A = arith.constant 0 : i32
    %dma_wait3A_153 = tpu.memref_slice %arg2[%add3A_152, %dma_wait3A] : memref<4096x4096xf32, #tpu.memory_space<hbm>> -> memref<4x4096xf32, #tpu.memory_space<hbm>>
    %dma_wait3A_154 = arith.constant 0 : i32
    %dma_wait3A_155 = tpu.memref_slice %arg2[%add3A_152, %dma_wait3A_154] : memref<4096x4096xf32, #tpu.memory_space<hbm>> -> memref<4x4096xf32, #tpu.memory_space<hbm>>
    tpu.wait_dma2 semaphore(%arg13 : memref<!tpu.dma_semaphore, #tpu.memory_space<semaphore_mem>>) src(%dma_wait3A_155 : memref<4x4096xf32, #tpu.memory_space<hbm>>) dst(%arg7 : memref<4x4096xf32, #tpu.memory_space<vmem>>)
    %add3A_156 = arith.constant 0 : i32
    %add3A_157 = arith.addi %mul3A_2, %add3A_156 : i32
    %dma_start3A_158 = arith.constant 0 : i32
    %dma_start3A_159 = tpu.memref_slice %arg4[%add3A_157, %dma_start3A_158] : memref<4096x4096xf32, #tpu.memory_space<hbm>> -> memref<4x4096xf32, #tpu.memory_space<hbm>>
    %dma_start3A_160 = arith.constant 0 : i32
    %dma_start3A_161 = tpu.memref_slice %arg4[%add3A_157, %dma_start3A_160] : memref<4096x4096xf32, #tpu.memory_space<hbm>> -> memref<4x4096xf32, #tpu.memory_space<hbm>>
    tpu.enqueue_dma source(%arg7 : memref<4x4096xf32, #tpu.memory_space<vmem>>) target(%dma_start3A_161 : memref<4x4096xf32, #tpu.memory_space<hbm>>) target_semaphore(%arg16 : memref<!tpu.dma_semaphore, #tpu.memory_space<semaphore_mem>>)
    %add3A_162 = arith.constant 0 : i32
    %add3A_163 = arith.addi %mul3A_2, %add3A_162 : i32
    %dma_wait3A_164 = arith.constant 0 : i32
    %dma_wait3A_165 = tpu.memref_slice %arg4[%add3A_163, %dma_wait3A_164] : memref<4096x4096xf32, #tpu.memory_space<hbm>> -> memref<4x4096xf32, #tpu.memory_space<hbm>>
    %dma_wait3A_166 = arith.constant 0 : i32
    %dma_wait3A_167 = tpu.memref_slice %arg4[%add3A_163, %dma_wait3A_166] : memref<4096x4096xf32, #tpu.memory_space<hbm>> -> memref<4x4096xf32, #tpu.memory_space<hbm>>
    tpu.wait_dma2 semaphore(%arg16 : memref<!tpu.dma_semaphore, #tpu.memory_space<semaphore_mem>>) src(%arg7 : memref<4x4096xf32, #tpu.memory_space<vmem>>) dst(%dma_wait3A_167 : memref<4x4096xf32, #tpu.memory_space<hbm>>)
    %add3A_168 = arith.constant 12 : i32
    %add3A_169 = arith.addi %mul3A_2, %add3A_168 : i32
    %dma_start3A_170 = arith.constant 0 : i32
    %dma_start3A_171 = tpu.memref_slice %arg2[%add3A_169, %dma_start3A_170] : memref<4096x4096xf32, #tpu.memory_space<hbm>> -> memref<4x4096xf32, #tpu.memory_space<hbm>>
    %dma_start3A_172 = arith.constant 0 : i32
    %dma_start3A_173 = tpu.memref_slice %arg2[%add3A_169, %dma_start3A_172] : memref<4096x4096xf32, #tpu.memory_space<hbm>> -> memref<4x4096xf32, #tpu.memory_space<hbm>>
    tpu.enqueue_dma source(%dma_start3A_173 : memref<4x4096xf32, #tpu.memory_space<hbm>>) target(%arg7 : memref<4x4096xf32, #tpu.memory_space<vmem>>) target_semaphore(%arg13 : memref<!tpu.dma_semaphore, #tpu.memory_space<semaphore_mem>>)
    %add3A_174 = arith.constant 4 : i32
    %add3A_175 = arith.addi %mul3A_2, %add3A_174 : i32
    %dma_wait3A_176 = arith.constant 0 : i32
    %dma_wait3A_177 = tpu.memref_slice %arg2[%add3A_175, %dma_wait3A_176] : memref<4096x4096xf32, #tpu.memory_space<hbm>> -> memref<4x4096xf32, #tpu.memory_space<hbm>>
    %dma_wait3A_178 = arith.constant 0 : i32
    %dma_wait3A_179 = tpu.memref_slice %arg2[%add3A_175, %dma_wait3A_178] : memref<4096x4096xf32, #tpu.memory_space<hbm>> -> memref<4x4096xf32, #tpu.memory_space<hbm>>
    tpu.wait_dma2 semaphore(%arg14 : memref<!tpu.dma_semaphore, #tpu.memory_space<semaphore_mem>>) src(%dma_wait3A_179 : memref<4x4096xf32, #tpu.memory_space<hbm>>) dst(%arg8 : memref<4x4096xf32, #tpu.memory_space<vmem>>)
    %add3A_180 = arith.constant 4 : i32
    %add3A_181 = arith.addi %mul3A_2, %add3A_180 : i32
    %dma_start3A_182 = arith.constant 0 : i32
    %dma_start3A_183 = tpu.memref_slice %arg4[%add3A_181, %dma_start3A_182] : memref<4096x4096xf32, #tpu.memory_space<hbm>> -> memref<4x4096xf32, #tpu.memory_space<hbm>>
    %dma_start3A_184 = arith.constant 0 : i32
    %dma_start3A_185 = tpu.memref_slice %arg4[%add3A_181, %dma_start3A_184] : memref<4096x4096xf32, #tpu.memory_space<hbm>> -> memref<4x4096xf32, #tpu.memory_space<hbm>>
    tpu.enqueue_dma source(%arg8 : memref<4x4096xf32, #tpu.memory_space<vmem>>) target(%dma_start3A_185 : memref<4x4096xf32, #tpu.memory_space<hbm>>) target_semaphore(%arg17 : memref<!tpu.dma_semaphore, #tpu.memory_space<semaphore_mem>>)
    %add3A_186 = arith.constant 4 : i32
    %add3A_187 = arith.addi %mul3A_2, %add3A_186 : i32
    %dma_wait3A_188 = arith.constant 0 : i32
    %dma_wait3A_189 = tpu.memref_slice %arg4[%add3A_187, %dma_wait3A_188] : memref<4096x4096xf32, #tpu.memory_space<hbm>> -> memref<4x4096xf32, #tpu.memory_space<hbm>>
    %dma_wait3A_190 = arith.constant 0 : i32
    %dma_wait3A_191 = tpu.memref_slice %arg4[%add3A_187, %dma_wait3A_190] : memref<4096x4096xf32, #tpu.memory_space<hbm>> -> memref<4x4096xf32, #tpu.memory_space<hbm>>
    tpu.wait_dma2 semaphore(%arg17 : memref<!tpu.dma_semaphore, #tpu.memory_space<semaphore_mem>>) src(%arg8 : memref<4x4096xf32, #tpu.memory_space<vmem>>) dst(%dma_wait3A_191 : memref<4x4096xf32, #tpu.memory_space<hbm>>)
    %add3A_192 = arith.constant 16 : i32
    %add3A_193 = arith.addi %mul3A_2, %add3A_192 : i32
    %dma_start3A_194 = arith.constant 0 : i32
    %dma_start3A_195 = tpu.memref_slice %arg2[%add3A_193, %dma_start3A_194] : memref<4096x4096xf32, #tpu.memory_space<hbm>> -> memref<4x4096xf32, #tpu.memory_space<hbm>>
    %dma_start3A_196 = arith.constant 0 : i32
    %dma_start3A_197 = tpu.memref_slice %arg2[%add3A_193, %dma_start3A_196] : memref<4096x4096xf32, #tpu.memory_space<hbm>> -> memref<4x4096xf32, #tpu.memory_space<hbm>>
    tpu.enqueue_dma source(%dma_start3A_197 : memref<4x4096xf32, #tpu.memory_space<hbm>>) target(%arg8 : memref<4x4096xf32, #tpu.memory_space<vmem>>) target_semaphore(%arg14 : memref<!tpu.dma_semaphore, #tpu.memory_space<semaphore_mem>>)
    %add3A_198 = arith.constant 8 : i32
    %add3A_199 = arith.addi %mul3A_2, %add3A_198 : i32
    %dma_wait3A_200 = arith.constant 0 : i32
    %dma_wait3A_201 = tpu.memref_slice %arg2[%add3A_199, %dma_wait3A_200] : memref<4096x4096xf32, #tpu.memory_space<hbm>> -> memref<4x4096xf32, #tpu.memory_space<hbm>>
    %dma_wait3A_202 = arith.constant 0 : i32
    %dma_wait3A_203 = tpu.memref_slice %arg2[%add3A_199, %dma_wait3A_202] : memref<4096x4096xf32, #tpu.memory_space<hbm>> -> memref<4x4096xf32, #tpu.memory_space<hbm>>
    tpu.wait_dma2 semaphore(%arg15 : memref<!tpu.dma_semaphore, #tpu.memory_space<semaphore_mem>>) src(%dma_wait3A_203 : memref<4x4096xf32, #tpu.memory_space<hbm>>) dst(%arg9 : memref<4x4096xf32, #tpu.memory_space<vmem>>)
    %add3A_204 = arith.constant 8 : i32
    %add3A_205 = arith.addi %mul3A_2, %add3A_204 : i32
    %dma_start3A_206 = arith.constant 0 : i32
    %dma_start3A_207 = tpu.memref_slice %arg4[%add3A_205, %dma_start3A_206] : memref<4096x4096xf32, #tpu.memory_space<hbm>> -> memref<4x4096xf32, #tpu.memory_space<hbm>>
    %dma_start3A_208 = arith.constant 0 : i32
    %dma_start3A_209 = tpu.memref_slice %arg4[%add3A_205, %dma_start3A_208] : memref<4096x4096xf32, #tpu.memory_space<hbm>> -> memref<4x4096xf32, #tpu.memory_space<hbm>>
    tpu.enqueue_dma source(%arg9 : memref<4x4096xf32, #tpu.memory_space<vmem>>) target(%dma_start3A_209 : memref<4x4096xf32, #tpu.memory_space<hbm>>) target_semaphore(%arg18 : memref<!tpu.dma_semaphore, #tpu.memory_space<semaphore_mem>>)
    %add3A_210 = arith.constant 8 : i32
    %add3A_211 = arith.addi %mul3A_2, %add3A_210 : i32
    %dma_wait3A_212 = arith.constant 0 : i32
    %dma_wait3A_213 = tpu.memref_slice %arg4[%add3A_211, %dma_wait3A_212] : memref<4096x4096xf32, #tpu.memory_space<hbm>> -> memref<4x4096xf32, #tpu.memory_space<hbm>>
    %dma_wait3A_214 = arith.constant 0 : i32
    %dma_wait3A_215 = tpu.memref_slice %arg4[%add3A_211, %dma_wait3A_214] : memref<4096x4096xf32, #tpu.memory_space<hbm>> -> memref<4x4096xf32, #tpu.memory_space<hbm>>
    tpu.wait_dma2 semaphore(%arg18 : memref<!tpu.dma_semaphore, #tpu.memory_space<semaphore_mem>>) src(%arg9 : memref<4x4096xf32, #tpu.memory_space<vmem>>) dst(%dma_wait3A_215 : memref<4x4096xf32, #tpu.memory_space<hbm>>)
    %add3A_216 = arith.constant 20 : i32
    %add3A_217 = arith.addi %mul3A_2, %add3A_216 : i32
    %dma_start3A_218 = arith.constant 0 : i32
    %dma_start3A_219 = tpu.memref_slice %arg2[%add3A_217, %dma_start3A_218] : memref<4096x4096xf32, #tpu.memory_space<hbm>> -> memref<4x4096xf32, #tpu.memory_space<hbm>>
    %dma_start3A_220 = arith.constant 0 : i32
    %dma_start3A_221 = tpu.memref_slice %arg2[%add3A_217, %dma_start3A_220] : memref<4096x4096xf32, #tpu.memory_space<hbm>> -> memref<4x4096xf32, #tpu.memory_space<hbm>>
    tpu.enqueue_dma source(%dma_start3A_221 : memref<4x4096xf32, #tpu.memory_space<hbm>>) target(%arg9 : memref<4x4096xf32, #tpu.memory_space<vmem>>) target_semaphore(%arg15 : memref<!tpu.dma_semaphore, #tpu.memory_space<semaphore_mem>>)
    %add3A_222 = arith.constant 12 : i32
    %add3A_223 = arith.addi %mul3A_2, %add3A_222 : i32
    %dma_wait3A_224 = arith.constant 0 : i32
    %dma_wait3A_225 = tpu.memref_slice %arg2[%add3A_223, %dma_wait3A_224] : memref<4096x4096xf32, #tpu.memory_space<hbm>> -> memref<4x4096xf32, #tpu.memory_space<hbm>>
    %dma_wait3A_226 = arith.constant 0 : i32
    %dma_wait3A_227 = tpu.memref_slice %arg2[%add3A_223, %dma_wait3A_226] : memref<4096x4096xf32, #tpu.memory_space<hbm>> -> memref<4x4096xf32, #tpu.memory_space<hbm>>
    tpu.wait_dma2 semaphore(%arg13 : memref<!tpu.dma_semaphore, #tpu.memory_space<semaphore_mem>>) src(%dma_wait3A_227 : memref<4x4096xf32, #tpu.memory_space<hbm>>) dst(%arg7 : memref<4x4096xf32, #tpu.memory_space<vmem>>)
    %add3A_228 = arith.constant 12 : i32
    %add3A_229 = arith.addi %mul3A_2, %add3A_228 : i32
    %dma_start3A_230 = arith.constant 0 : i32
    %dma_start3A_231 = tpu.memref_slice %arg4[%add3A_229, %dma_start3A_230] : memref<4096x4096xf32, #tpu.memory_space<hbm>> -> memref<4x4096xf32, #tpu.memory_space<hbm>>
    %dma_start3A_232 = arith.constant 0 : i32
    %dma_start3A_233 = tpu.memref_slice %arg4[%add3A_229, %dma_start3A_232] : memref<4096x4096xf32, #tpu.memory_space<hbm>> -> memref<4x4096xf32, #tpu.memory_space<hbm>>
    tpu.enqueue_dma source(%arg7 : memref<4x4096xf32, #tpu.memory_space<vmem>>) target(%dma_start3A_233 : memref<4x4096xf32, #tpu.memory_space<hbm>>) target_semaphore(%arg16 : memref<!tpu.dma_semaphore, #tpu.memory_space<semaphore_mem>>)
    %add3A_234 = arith.constant 12 : i32
    %add3A_235 = arith.addi %mul3A_2, %add3A_234 : i32
    %dma_wait3A_236 = arith.constant 0 : i32
    %dma_wait3A_237 = tpu.memref_slice %arg4[%add3A_235, %dma_wait3A_236] : memref<4096x4096xf32, #tpu.memory_space<hbm>> -> memref<4x4096xf32, #tpu.memory_space<hbm>>
    %dma_wait3A_238 = arith.constant 0 : i32
    %dma_wait3A_239 = tpu.memref_slice %arg4[%add3A_235, %dma_wait3A_238] : memref<4096x4096xf32, #tpu.memory_space<hbm>> -> memref<4x4096xf32, #tpu.memory_space<hbm>>
    tpu.wait_dma2 semaphore(%arg16 : memref<!tpu.dma_semaphore, #tpu.memory_space<semaphore_mem>>) src(%arg7 : memref<4x4096xf32, #tpu.memory_space<vmem>>) dst(%dma_wait3A_239 : memref<4x4096xf32, #tpu.memory_space<hbm>>)
    %add3A_240 = arith.constant 24 : i32
    %add3A_241 = arith.addi %mul3A_2, %add3A_240 : i32
    %dma_start3A_242 = arith.constant 0 : i32
    %dma_start3A_243 = tpu.memref_slice %arg2[%add3A_241, %dma_start3A_242] : memref<4096x4096xf32, #tpu.memory_space<hbm>> -> memref<4x4096xf32, #tpu.memory_space<hbm>>
    %dma_start3A_244 = arith.constant 0 : i32
    %dma_start3A_245 = tpu.memref_slice %arg2[%add3A_241, %dma_start3A_244] : memref<4096x4096xf32, #tpu.memory_space<hbm>> -> memref<4x4096xf32, #tpu.memory_space<hbm>>
    tpu.enqueue_dma source(%dma_start3A_245 : memref<4x4096xf32, #tpu.memory_space<hbm>>) target(%arg7 : memref<4x4096xf32, #tpu.memory_space<vmem>>) target_semaphore(%arg13 : memref<!tpu.dma_semaphore, #tpu.memory_space<semaphore_mem>>)
    %add3A_246 = arith.constant 16 : i32
    %add3A_247 = arith.addi %mul3A_2, %add3A_246 : i32
    %dma_wait3A_248 = arith.constant 0 : i32
    %dma_wait3A_249 = tpu.memref_slice %arg2[%add3A_247, %dma_wait3A_248] : memref<4096x4096xf32, #tpu.memory_space<hbm>> -> memref<4x4096xf32, #tpu.memory_space<hbm>>
    %dma_wait3A_250 = arith.constant 0 : i32
    %dma_wait3A_251 = tpu.memref_slice %arg2[%add3A_247, %dma_wait3A_250] : memref<4096x4096xf32, #tpu.memory_space<hbm>> -> memref<4x4096xf32, #tpu.memory_space<hbm>>
    tpu.wait_dma2 semaphore(%arg14 : memref<!tpu.dma_semaphore, #tpu.memory_space<semaphore_mem>>) src(%dma_wait3A_251 : memref<4x4096xf32, #tpu.memory_space<hbm>>) dst(%arg8 : memref<4x4096xf32, #tpu.memory_space<vmem>>)
    %add3A_252 = arith.constant 16 : i32
    %add3A_253 = arith.addi %mul3A_2, %add3A_252 : i32
    %dma_start3A_254 = arith.constant 0 : i32
    %dma_start3A_255 = tpu.memref_slice %arg4[%add3A_253, %dma_start3A_254] : memref<4096x4096xf32, #tpu.memory_space<hbm>> -> memref<4x4096xf32, #tpu.memory_space<hbm>>
    %dma_start3A_256 = arith.constant 0 : i32
    %dma_start3A_257 = tpu.memref_slice %arg4[%add3A_253, %dma_start3A_256] : memref<4096x4096xf32, #tpu.memory_space<hbm>> -> memref<4x4096xf32, #tpu.memory_space<hbm>>
    tpu.enqueue_dma source(%arg8 : memref<4x4096xf32, #tpu.memory_space<vmem>>) target(%dma_start3A_257 : memref<4x4096xf32, #tpu.memory_space<hbm>>) target_semaphore(%arg17 : memref<!tpu.dma_semaphore, #tpu.memory_space<semaphore_mem>>)
    %add3A_258 = arith.constant 16 : i32
    %add3A_259 = arith.addi %mul3A_2, %add3A_258 : i32
    %dma_wait3A_260 = arith.constant 0 : i32
    %dma_wait3A_261 = tpu.memref_slice %arg4[%add3A_259, %dma_wait3A_260] : memref<4096x4096xf32, #tpu.memory_space<hbm>> -> memref<4x4096xf32, #tpu.memory_space<hbm>>
    %dma_wait3A_262 = arith.constant 0 : i32
    %dma_wait3A_263 = tpu.memref_slice %arg4[%add3A_259, %dma_wait3A_262] : memref<4096x4096xf32, #tpu.memory_space<hbm>> -> memref<4x4096xf32, #tpu.memory_space<hbm>>
    tpu.wait_dma2 semaphore(%arg17 : memref<!tpu.dma_semaphore, #tpu.memory_space<semaphore_mem>>) src(%arg8 : memref<4x4096xf32, #tpu.memory_space<vmem>>) dst(%dma_wait3A_263 : memref<4x4096xf32, #tpu.memory_space<hbm>>)
    %add3A_264 = arith.constant 28 : i32
    %add3A_265 = arith.addi %mul3A_2, %add3A_264 : i32
    %dma_start3A_266 = arith.constant 0 : i32
    %dma_start3A_267 = tpu.memref_slice %arg2[%add3A_265, %dma_start3A_266] : memref<4096x4096xf32, #tpu.memory_space<hbm>> -> memref<4x4096xf32, #tpu.memory_space<hbm>>
    %dma_start3A_268 = arith.constant 0 : i32
    %dma_start3A_269 = tpu.memref_slice %arg2[%add3A_265, %dma_start3A_268] : memref<4096x4096xf32, #tpu.memory_space<hbm>> -> memref<4x4096xf32, #tpu.memory_space<hbm>>
    tpu.enqueue_dma source(%dma_start3A_269 : memref<4x4096xf32, #tpu.memory_space<hbm>>) target(%arg8 : memref<4x4096xf32, #tpu.memory_space<vmem>>) target_semaphore(%arg14 : memref<!tpu.dma_semaphore, #tpu.memory_space<semaphore_mem>>)
    %add3A_270 = arith.constant 20 : i32
    %add3A_271 = arith.addi %mul3A_2, %add3A_270 : i32
    %dma_wait3A_272 = arith.constant 0 : i32
    %dma_wait3A_273 = tpu.memref_slice %arg2[%add3A_271, %dma_wait3A_272] : memref<4096x4096xf32, #tpu.memory_space<hbm>> -> memref<4x4096xf32, #tpu.memory_space<hbm>>
    %dma_wait3A_274 = arith.constant 0 : i32
    %dma_wait3A_275 = tpu.memref_slice %arg2[%add3A_271, %dma_wait3A_274] : memref<4096x4096xf32, #tpu.memory_space<hbm>> -> memref<4x4096xf32, #tpu.memory_space<hbm>>
    tpu.wait_dma2 semaphore(%arg15 : memref<!tpu.dma_semaphore, #tpu.memory_space<semaphore_mem>>) src(%dma_wait3A_275 : memref<4x4096xf32, #tpu.memory_space<hbm>>) dst(%arg9 : memref<4x4096xf32, #tpu.memory_space<vmem>>)
    %add3A_276 = arith.constant 20 : i32
    %add3A_277 = arith.addi %mul3A_2, %add3A_276 : i32
    %dma_start3A_278 = arith.constant 0 : i32
    %dma_start3A_279 = tpu.memref_slice %arg4[%add3A_277, %dma_start3A_278] : memref<4096x4096xf32, #tpu.memory_space<hbm>> -> memref<4x4096xf32, #tpu.memory_space<hbm>>
    %dma_start3A_280 = arith.constant 0 : i32
    %dma_start3A_281 = tpu.memref_slice %arg4[%add3A_277, %dma_start3A_280] : memref<4096x4096xf32, #tpu.memory_space<hbm>> -> memref<4x4096xf32, #tpu.memory_space<hbm>>
    tpu.enqueue_dma source(%arg9 : memref<4x4096xf32, #tpu.memory_space<vmem>>) target(%dma_start3A_281 : memref<4x4096xf32, #tpu.memory_space<hbm>>) target_semaphore(%arg18 : memref<!tpu.dma_semaphore, #tpu.memory_space<semaphore_mem>>)
    %add3A_282 = arith.constant 20 : i32
    %add3A_283 = arith.addi %mul3A_2, %add3A_282 : i32
    %dma_wait3A_284 = arith.constant 0 : i32
    %dma_wait3A_285 = tpu.memref_slice %arg4[%add3A_283, %dma_wait3A_284] : memref<4096x4096xf32, #tpu.memory_space<hbm>> -> memref<4x4096xf32, #tpu.memory_space<hbm>>
    %dma_wait3A_286 = arith.constant 0 : i32
    %dma_wait3A_287 = tpu.memref_slice %arg4[%add3A_283, %dma_wait3A_286] : memref<4096x4096xf32, #tpu.memory_space<hbm>> -> memref<4x4096xf32, #tpu.memory_space<hbm>>
    tpu.wait_dma2 semaphore(%arg18 : memref<!tpu.dma_semaphore, #tpu.memory_space<semaphore_mem>>) src(%arg9 : memref<4x4096xf32, #tpu.memory_space<vmem>>) dst(%dma_wait3A_287 : memref<4x4096xf32, #tpu.memory_space<hbm>>)
    %add3A_288 = arith.constant 32 : i32
    %add3A_289 = arith.addi %mul3A_2, %add3A_288 : i32
    %dma_start3A_290 = arith.constant 0 : i32
    %dma_start3A_291 = tpu.memref_slice %arg2[%add3A_289, %dma_start3A_290] : memref<4096x4096xf32, #tpu.memory_space<hbm>> -> memref<4x4096xf32, #tpu.memory_space<hbm>>
    %dma_start3A_292 = arith.constant 0 : i32
    %dma_start3A_293 = tpu.memref_slice %arg2[%add3A_289, %dma_start3A_292] : memref<4096x4096xf32, #tpu.memory_space<hbm>> -> memref<4x4096xf32, #tpu.memory_space<hbm>>
    tpu.enqueue_dma source(%dma_start3A_293 : memref<4x4096xf32, #tpu.memory_space<hbm>>) target(%arg9 : memref<4x4096xf32, #tpu.memory_space<vmem>>) target_semaphore(%arg15 : memref<!tpu.dma_semaphore, #tpu.memory_space<semaphore_mem>>)
    %add3A_294 = arith.constant 24 : i32
    %add3A_295 = arith.addi %mul3A_2, %add3A_294 : i32
    %dma_wait3A_296 = arith.constant 0 : i32
    %dma_wait3A_297 = tpu.memref_slice %arg2[%add3A_295, %dma_wait3A_296] : memref<4096x4096xf32, #tpu.memory_space<hbm>> -> memref<4x4096xf32, #tpu.memory_space<hbm>>
    %dma_wait3A_298 = arith.constant 0 : i32
    %dma_wait3A_299 = tpu.memref_slice %arg2[%add3A_295, %dma_wait3A_298] : memref<4096x4096xf32, #tpu.memory_space<hbm>> -> memref<4x4096xf32, #tpu.memory_space<hbm>>
    tpu.wait_dma2 semaphore(%arg13 : memref<!tpu.dma_semaphore, #tpu.memory_space<semaphore_mem>>) src(%dma_wait3A_299 : memref<4x4096xf32, #tpu.memory_space<hbm>>) dst(%arg7 : memref<4x4096xf32, #tpu.memory_space<vmem>>)
    %add3A_300 = arith.constant 24 : i32
    %add3A_301 = arith.addi %mul3A_2, %add3A_300 : i32
    %dma_start3A_302 = arith.constant 0 : i32
    %dma_start3A_303 = tpu.memref_slice %arg4[%add3A_301, %dma_start3A_302] : memref<4096x4096xf32, #tpu.memory_space<hbm>> -> memref<4x4096xf32, #tpu.memory_space<hbm>>
    %dma_start3A_304 = arith.constant 0 : i32
    %dma_start3A_305 = tpu.memref_slice %arg4[%add3A_301, %dma_start3A_304] : memref<4096x4096xf32, #tpu.memory_space<hbm>> -> memref<4x4096xf32, #tpu.memory_space<hbm>>
    tpu.enqueue_dma source(%arg7 : memref<4x4096xf32, #tpu.memory_space<vmem>>) target(%dma_start3A_305 : memref<4x4096xf32, #tpu.memory_space<hbm>>) target_semaphore(%arg16 : memref<!tpu.dma_semaphore, #tpu.memory_space<semaphore_mem>>)
    %add3A_306 = arith.constant 24 : i32
    %add3A_307 = arith.addi %mul3A_2, %add3A_306 : i32
    %dma_wait3A_308 = arith.constant 0 : i32
    %dma_wait3A_309 = tpu.memref_slice %arg4[%add3A_307, %dma_wait3A_308] : memref<4096x4096xf32, #tpu.memory_space<hbm>> -> memref<4x4096xf32, #tpu.memory_space<hbm>>
    %dma_wait3A_310 = arith.constant 0 : i32
    %dma_wait3A_311 = tpu.memref_slice %arg4[%add3A_307, %dma_wait3A_310] : memref<4096x4096xf32, #tpu.memory_space<hbm>> -> memref<4x4096xf32, #tpu.memory_space<hbm>>
    tpu.wait_dma2 semaphore(%arg16 : memref<!tpu.dma_semaphore, #tpu.memory_space<semaphore_mem>>) src(%arg7 : memref<4x4096xf32, #tpu.memory_space<vmem>>) dst(%dma_wait3A_311 : memref<4x4096xf32, #tpu.memory_space<hbm>>)
    %add3A_312 = arith.constant 36 : i32
    %add3A_313 = arith.addi %mul3A_2, %add3A_312 : i32
    %dma_start3A_314 = arith.constant 0 : i32
    %dma_start3A_315 = tpu.memref_slice %arg2[%add3A_313, %dma_start3A_314] : memref<4096x4096xf32, #tpu.memory_space<hbm>> -> memref<4x4096xf32, #tpu.memory_space<hbm>>
    %dma_start3A_316 = arith.constant 0 : i32
    %dma_start3A_317 = tpu.memref_slice %arg2[%add3A_313, %dma_start3A_316] : memref<4096x4096xf32, #tpu.memory_space<hbm>> -> memref<4x4096xf32, #tpu.memory_space<hbm>>
    tpu.enqueue_dma source(%dma_start3A_317 : memref<4x4096xf32, #tpu.memory_space<hbm>>) target(%arg7 : memref<4x4096xf32, #tpu.memory_space<vmem>>) target_semaphore(%arg13 : memref<!tpu.dma_semaphore, #tpu.memory_space<semaphore_mem>>)
    %add3A_318 = arith.constant 28 : i32
    %add3A_319 = arith.addi %mul3A_2, %add3A_318 : i32
    %dma_wait3A_320 = arith.constant 0 : i32
    %dma_wait3A_321 = tpu.memref_slice %arg2[%add3A_319, %dma_wait3A_320] : memref<4096x4096xf32, #tpu.memory_space<hbm>> -> memref<4x4096xf32, #tpu.memory_space<hbm>>
    %dma_wait3A_322 = arith.constant 0 : i32
    %dma_wait3A_323 = tpu.memref_slice %arg2[%add3A_319, %dma_wait3A_322] : memref<4096x4096xf32, #tpu.memory_space<hbm>> -> memref<4x4096xf32, #tpu.memory_space<hbm>>
    tpu.wait_dma2 semaphore(%arg14 : memref<!tpu.dma_semaphore, #tpu.memory_space<semaphore_mem>>) src(%dma_wait3A_323 : memref<4x4096xf32, #tpu.memory_space<hbm>>) dst(%arg8 : memref<4x4096xf32, #tpu.memory_space<vmem>>)
    %add3A_324 = arith.constant 28 : i32
    %add3A_325 = arith.addi %mul3A_2, %add3A_324 : i32
    %dma_start3A_326 = arith.constant 0 : i32
    %dma_start3A_327 = tpu.memref_slice %arg4[%add3A_325, %dma_start3A_326] : memref<4096x4096xf32, #tpu.memory_space<hbm>> -> memref<4x4096xf32, #tpu.memory_space<hbm>>
    %dma_start3A_328 = arith.constant 0 : i32
    %dma_start3A_329 = tpu.memref_slice %arg4[%add3A_325, %dma_start3A_328] : memref<4096x4096xf32, #tpu.memory_space<hbm>> -> memref<4x4096xf32, #tpu.memory_space<hbm>>
    tpu.enqueue_dma source(%arg8 : memref<4x4096xf32, #tpu.memory_space<vmem>>) target(%dma_start3A_329 : memref<4x4096xf32, #tpu.memory_space<hbm>>) target_semaphore(%arg17 : memref<!tpu.dma_semaphore, #tpu.memory_space<semaphore_mem>>)
    %add3A_330 = arith.constant 28 : i32
    %add3A_331 = arith.addi %mul3A_2, %add3A_330 : i32
    %dma_wait3A_332 = arith.constant 0 : i32
    %dma_wait3A_333 = tpu.memref_slice %arg4[%add3A_331, %dma_wait3A_332] : memref<4096x4096xf32, #tpu.memory_space<hbm>> -> memref<4x4096xf32, #tpu.memory_space<hbm>>
    %dma_wait3A_334 = arith.constant 0 : i32
    %dma_wait3A_335 = tpu.memref_slice %arg4[%add3A_331, %dma_wait3A_334] : memref<4096x4096xf32, #tpu.memory_space<hbm>> -> memref<4x4096xf32, #tpu.memory_space<hbm>>
    tpu.wait_dma2 semaphore(%arg17 : memref<!tpu.dma_semaphore, #tpu.memory_space<semaphore_mem>>) src(%arg8 : memref<4x4096xf32, #tpu.memory_space<vmem>>) dst(%dma_wait3A_335 : memref<4x4096xf32, #tpu.memory_space<hbm>>)
    %add3A_336 = arith.constant 40 : i32
    %add3A_337 = arith.addi %mul3A_2, %add3A_336 : i32
    %dma_start3A_338 = arith.constant 0 : i32
    %dma_start3A_339 = tpu.memref_slice %arg2[%add3A_337, %dma_start3A_338] : memref<4096x4096xf32, #tpu.memory_space<hbm>> -> memref<4x4096xf32, #tpu.memory_space<hbm>>
    %dma_start3A_340 = arith.constant 0 : i32
    %dma_start3A_341 = tpu.memref_slice %arg2[%add3A_337, %dma_start3A_340] : memref<4096x4096xf32, #tpu.memory_space<hbm>> -> memref<4x4096xf32, #tpu.memory_space<hbm>>
    tpu.enqueue_dma source(%dma_start3A_341 : memref<4x4096xf32, #tpu.memory_space<hbm>>) target(%arg8 : memref<4x4096xf32, #tpu.memory_space<vmem>>) target_semaphore(%arg14 : memref<!tpu.dma_semaphore, #tpu.memory_space<semaphore_mem>>)
    %add3A_342 = arith.constant 32 : i32
    %add3A_343 = arith.addi %mul3A_2, %add3A_342 : i32
    %dma_wait3A_344 = arith.constant 0 : i32
    %dma_wait3A_345 = tpu.memref_slice %arg2[%add3A_343, %dma_wait3A_344] : memref<4096x4096xf32, #tpu.memory_space<hbm>> -> memref<4x4096xf32, #tpu.memory_space<hbm>>
    %dma_wait3A_346 = arith.constant 0 : i32
    %dma_wait3A_347 = tpu.memref_slice %arg2[%add3A_343, %dma_wait3A_346] : memref<4096x4096xf32, #tpu.memory_space<hbm>> -> memref<4x4096xf32, #tpu.memory_space<hbm>>
    tpu.wait_dma2 semaphore(%arg15 : memref<!tpu.dma_semaphore, #tpu.memory_space<semaphore_mem>>) src(%dma_wait3A_347 : memref<4x4096xf32, #tpu.memory_space<hbm>>) dst(%arg9 : memref<4x4096xf32, #tpu.memory_space<vmem>>)
    %add3A_348 = arith.constant 32 : i32
    %add3A_349 = arith.addi %mul3A_2, %add3A_348 : i32
    %dma_start3A_350 = arith.constant 0 : i32
    %dma_start3A_351 = tpu.memref_slice %arg4[%add3A_349, %dma_start3A_350] : memref<4096x4096xf32, #tpu.memory_space<hbm>> -> memref<4x4096xf32, #tpu.memory_space<hbm>>
    %dma_start3A_352 = arith.constant 0 : i32
    %dma_start3A_353 = tpu.memref_slice %arg4[%add3A_349, %dma_start3A_352] : memref<4096x4096xf32, #tpu.memory_space<hbm>> -> memref<4x4096xf32, #tpu.memory_space<hbm>>
    tpu.enqueue_dma source(%arg9 : memref<4x4096xf32, #tpu.memory_space<vmem>>) target(%dma_start3A_353 : memref<4x4096xf32, #tpu.memory_space<hbm>>) target_semaphore(%arg18 : memref<!tpu.dma_semaphore, #tpu.memory_space<semaphore_mem>>)
    %add3A_354 = arith.constant 32 : i32
    %add3A_355 = arith.addi %mul3A_2, %add3A_354 : i32
    %dma_wait3A_356 = arith.constant 0 : i32
    %dma_wait3A_357 = tpu.memref_slice %arg4[%add3A_355, %dma_wait3A_356] : memref<4096x4096xf32, #tpu.memory_space<hbm>> -> memref<4x4096xf32, #tpu.memory_space<hbm>>
    %dma_wait3A_358 = arith.constant 0 : i32
    %dma_wait3A_359 = tpu.memref_slice %arg4[%add3A_355, %dma_wait3A_358] : memref<4096x4096xf32, #tpu.memory_space<hbm>> -> memref<4x4096xf32, #tpu.memory_space<hbm>>
    tpu.wait_dma2 semaphore(%arg18 : memref<!tpu.dma_semaphore, #tpu.memory_space<semaphore_mem>>) src(%arg9 : memref<4x4096xf32, #tpu.memory_space<vmem>>) dst(%dma_wait3A_359 : memref<4x4096xf32, #tpu.memory_space<hbm>>)
    %add3A_360 = arith.constant 44 : i32
    %add3A_361 = arith.addi %mul3A_2, %add3A_360 : i32
    %dma_start3A_362 = arith.constant 0 : i32
    %dma_start3A_363 = tpu.memref_slice %arg2[%add3A_361, %dma_start3A_362] : memref<4096x4096xf32, #tpu.memory_space<hbm>> -> memref<4x4096xf32, #tpu.memory_space<hbm>>
    %dma_start3A_364 = arith.constant 0 : i32
    %dma_start3A_365 = tpu.memref_slice %arg2[%add3A_361, %dma_start3A_364] : memref<4096x4096xf32, #tpu.memory_space<hbm>> -> memref<4x4096xf32, #tpu.memory_space<hbm>>
    tpu.enqueue_dma source(%dma_start3A_365 : memref<4x4096xf32, #tpu.memory_space<hbm>>) target(%arg9 : memref<4x4096xf32, #tpu.memory_space<vmem>>) target_semaphore(%arg15 : memref<!tpu.dma_semaphore, #tpu.memory_space<semaphore_mem>>)
    %add3A_366 = arith.constant 36 : i32
    %add3A_367 = arith.addi %mul3A_2, %add3A_366 : i32
    %dma_wait3A_368 = arith.constant 0 : i32
    %dma_wait3A_369 = tpu.memref_slice %arg2[%add3A_367, %dma_wait3A_368] : memref<4096x4096xf32, #tpu.memory_space<hbm>> -> memref<4x4096xf32, #tpu.memory_space<hbm>>
    %dma_wait3A_370 = arith.constant 0 : i32
    %dma_wait3A_371 = tpu.memref_slice %arg2[%add3A_367, %dma_wait3A_370] : memref<4096x4096xf32, #tpu.memory_space<hbm>> -> memref<4x4096xf32, #tpu.memory_space<hbm>>
    tpu.wait_dma2 semaphore(%arg13 : memref<!tpu.dma_semaphore, #tpu.memory_space<semaphore_mem>>) src(%dma_wait3A_371 : memref<4x4096xf32, #tpu.memory_space<hbm>>) dst(%arg7 : memref<4x4096xf32, #tpu.memory_space<vmem>>)
    %add3A_372 = arith.constant 36 : i32
    %add3A_373 = arith.addi %mul3A_2, %add3A_372 : i32
    %dma_start3A_374 = arith.constant 0 : i32
    %dma_start3A_375 = tpu.memref_slice %arg4[%add3A_373, %dma_start3A_374] : memref<4096x4096xf32, #tpu.memory_space<hbm>> -> memref<4x4096xf32, #tpu.memory_space<hbm>>
    %dma_start3A_376 = arith.constant 0 : i32
    %dma_start3A_377 = tpu.memref_slice %arg4[%add3A_373, %dma_start3A_376] : memref<4096x4096xf32, #tpu.memory_space<hbm>> -> memref<4x4096xf32, #tpu.memory_space<hbm>>
    tpu.enqueue_dma source(%arg7 : memref<4x4096xf32, #tpu.memory_space<vmem>>) target(%dma_start3A_377 : memref<4x4096xf32, #tpu.memory_space<hbm>>) target_semaphore(%arg16 : memref<!tpu.dma_semaphore, #tpu.memory_space<semaphore_mem>>)
    %add3A_378 = arith.constant 36 : i32
    %add3A_379 = arith.addi %mul3A_2, %add3A_378 : i32
    %dma_wait3A_380 = arith.constant 0 : i32
    %dma_wait3A_381 = tpu.memref_slice %arg4[%add3A_379, %dma_wait3A_380] : memref<4096x4096xf32, #tpu.memory_space<hbm>> -> memref<4x4096xf32, #tpu.memory_space<hbm>>
    %dma_wait3A_382 = arith.constant 0 : i32
    %dma_wait3A_383 = tpu.memref_slice %arg4[%add3A_379, %dma_wait3A_382] : memref<4096x4096xf32, #tpu.memory_space<hbm>> -> memref<4x4096xf32, #tpu.memory_space<hbm>>
    tpu.wait_dma2 semaphore(%arg16 : memref<!tpu.dma_semaphore, #tpu.memory_space<semaphore_mem>>) src(%arg7 : memref<4x4096xf32, #tpu.memory_space<vmem>>) dst(%dma_wait3A_383 : memref<4x4096xf32, #tpu.memory_space<hbm>>)
    %add3A_384 = arith.constant 48 : i32
    %add3A_385 = arith.addi %mul3A_2, %add3A_384 : i32
    %dma_start3A_386 = arith.constant 0 : i32
    %dma_start3A_387 = tpu.memref_slice %arg2[%add3A_385, %dma_start3A_386] : memref<4096x4096xf32, #tpu.memory_space<hbm>> -> memref<4x4096xf32, #tpu.memory_space<hbm>>
    %dma_start3A_388 = arith.constant 0 : i32
    %dma_start3A_389 = tpu.memref_slice %arg2[%add3A_385, %dma_start3A_388] : memref<4096x4096xf32, #tpu.memory_space<hbm>> -> memref<4x4096xf32, #tpu.memory_space<hbm>>
    tpu.enqueue_dma source(%dma_start3A_389 : memref<4x4096xf32, #tpu.memory_space<hbm>>) target(%arg7 : memref<4x4096xf32, #tpu.memory_space<vmem>>) target_semaphore(%arg13 : memref<!tpu.dma_semaphore, #tpu.memory_space<semaphore_mem>>)
    %add3A_390 = arith.constant 40 : i32
    %add3A_391 = arith.addi %mul3A_2, %add3A_390 : i32
    %dma_wait3A_392 = arith.constant 0 : i32
    %dma_wait3A_393 = tpu.memref_slice %arg2[%add3A_391, %dma_wait3A_392] : memref<4096x4096xf32, #tpu.memory_space<hbm>> -> memref<4x4096xf32, #tpu.memory_space<hbm>>
    %dma_wait3A_394 = arith.constant 0 : i32
    %dma_wait3A_395 = tpu.memref_slice %arg2[%add3A_391, %dma_wait3A_394] : memref<4096x4096xf32, #tpu.memory_space<hbm>> -> memref<4x4096xf32, #tpu.memory_space<hbm>>
    tpu.wait_dma2 semaphore(%arg14 : memref<!tpu.dma_semaphore, #tpu.memory_space<semaphore_mem>>) src(%dma_wait3A_395 : memref<4x4096xf32, #tpu.memory_space<hbm>>) dst(%arg8 : memref<4x4096xf32, #tpu.memory_space<vmem>>)
    %add3A_396 = arith.constant 40 : i32
    %add3A_397 = arith.addi %mul3A_2, %add3A_396 : i32
    %dma_start3A_398 = arith.constant 0 : i32
    %dma_start3A_399 = tpu.memref_slice %arg4[%add3A_397, %dma_start3A_398] : memref<4096x4096xf32, #tpu.memory_space<hbm>> -> memref<4x4096xf32, #tpu.memory_space<hbm>>
    %dma_start3A_400 = arith.constant 0 : i32
    %dma_start3A_401 = tpu.memref_slice %arg4[%add3A_397, %dma_start3A_400] : memref<4096x4096xf32, #tpu.memory_space<hbm>> -> memref<4x4096xf32, #tpu.memory_space<hbm>>
    tpu.enqueue_dma source(%arg8 : memref<4x4096xf32, #tpu.memory_space<vmem>>) target(%dma_start3A_401 : memref<4x4096xf32, #tpu.memory_space<hbm>>) target_semaphore(%arg17 : memref<!tpu.dma_semaphore, #tpu.memory_space<semaphore_mem>>)
    %add3A_402 = arith.constant 40 : i32
    %add3A_403 = arith.addi %mul3A_2, %add3A_402 : i32
    %dma_wait3A_404 = arith.constant 0 : i32
    %dma_wait3A_405 = tpu.memref_slice %arg4[%add3A_403, %dma_wait3A_404] : memref<4096x4096xf32, #tpu.memory_space<hbm>> -> memref<4x4096xf32, #tpu.memory_space<hbm>>
    %dma_wait3A_406 = arith.constant 0 : i32
    %dma_wait3A_407 = tpu.memref_slice %arg4[%add3A_403, %dma_wait3A_406] : memref<4096x4096xf32, #tpu.memory_space<hbm>> -> memref<4x4096xf32, #tpu.memory_space<hbm>>
    tpu.wait_dma2 semaphore(%arg17 : memref<!tpu.dma_semaphore, #tpu.memory_space<semaphore_mem>>) src(%arg8 : memref<4x4096xf32, #tpu.memory_space<vmem>>) dst(%dma_wait3A_407 : memref<4x4096xf32, #tpu.memory_space<hbm>>)
    %add3A_408 = arith.constant 52 : i32
    %add3A_409 = arith.addi %mul3A_2, %add3A_408 : i32
    %dma_start3A_410 = arith.constant 0 : i32
    %dma_start3A_411 = tpu.memref_slice %arg2[%add3A_409, %dma_start3A_410] : memref<4096x4096xf32, #tpu.memory_space<hbm>> -> memref<4x4096xf32, #tpu.memory_space<hbm>>
    %dma_start3A_412 = arith.constant 0 : i32
    %dma_start3A_413 = tpu.memref_slice %arg2[%add3A_409, %dma_start3A_412] : memref<4096x4096xf32, #tpu.memory_space<hbm>> -> memref<4x4096xf32, #tpu.memory_space<hbm>>
    tpu.enqueue_dma source(%dma_start3A_413 : memref<4x4096xf32, #tpu.memory_space<hbm>>) target(%arg8 : memref<4x4096xf32, #tpu.memory_space<vmem>>) target_semaphore(%arg14 : memref<!tpu.dma_semaphore, #tpu.memory_space<semaphore_mem>>)
    %add3A_414 = arith.constant 44 : i32
    %add3A_415 = arith.addi %mul3A_2, %add3A_414 : i32
    %dma_wait3A_416 = arith.constant 0 : i32
    %dma_wait3A_417 = tpu.memref_slice %arg2[%add3A_415, %dma_wait3A_416] : memref<4096x4096xf32, #tpu.memory_space<hbm>> -> memref<4x4096xf32, #tpu.memory_space<hbm>>
    %dma_wait3A_418 = arith.constant 0 : i32
    %dma_wait3A_419 = tpu.memref_slice %arg2[%add3A_415, %dma_wait3A_418] : memref<4096x4096xf32, #tpu.memory_space<hbm>> -> memref<4x4096xf32, #tpu.memory_space<hbm>>
    tpu.wait_dma2 semaphore(%arg15 : memref<!tpu.dma_semaphore, #tpu.memory_space<semaphore_mem>>) src(%dma_wait3A_419 : memref<4x4096xf32, #tpu.memory_space<hbm>>) dst(%arg9 : memref<4x4096xf32, #tpu.memory_space<vmem>>)
    %add3A_420 = arith.constant 44 : i32
    %add3A_421 = arith.addi %mul3A_2, %add3A_420 : i32
    %dma_start3A_422 = arith.constant 0 : i32
    %dma_start3A_423 = tpu.memref_slice %arg4[%add3A_421, %dma_start3A_422] : memref<4096x4096xf32, #tpu.memory_space<hbm>> -> memref<4x4096xf32, #tpu.memory_space<hbm>>
    %dma_start3A_424 = arith.constant 0 : i32
    %dma_start3A_425 = tpu.memref_slice %arg4[%add3A_421, %dma_start3A_424] : memref<4096x4096xf32, #tpu.memory_space<hbm>> -> memref<4x4096xf32, #tpu.memory_space<hbm>>
    tpu.enqueue_dma source(%arg9 : memref<4x4096xf32, #tpu.memory_space<vmem>>) target(%dma_start3A_425 : memref<4x4096xf32, #tpu.memory_space<hbm>>) target_semaphore(%arg18 : memref<!tpu.dma_semaphore, #tpu.memory_space<semaphore_mem>>)
    %add3A_426 = arith.constant 44 : i32
    %add3A_427 = arith.addi %mul3A_2, %add3A_426 : i32
    %dma_wait3A_428 = arith.constant 0 : i32
    %dma_wait3A_429 = tpu.memref_slice %arg4[%add3A_427, %dma_wait3A_428] : memref<4096x4096xf32, #tpu.memory_space<hbm>> -> memref<4x4096xf32, #tpu.memory_space<hbm>>
    %dma_wait3A_430 = arith.constant 0 : i32
    %dma_wait3A_431 = tpu.memref_slice %arg4[%add3A_427, %dma_wait3A_430] : memref<4096x4096xf32, #tpu.memory_space<hbm>> -> memref<4x4096xf32, #tpu.memory_space<hbm>>
    tpu.wait_dma2 semaphore(%arg18 : memref<!tpu.dma_semaphore, #tpu.memory_space<semaphore_mem>>) src(%arg9 : memref<4x4096xf32, #tpu.memory_space<vmem>>) dst(%dma_wait3A_431 : memref<4x4096xf32, #tpu.memory_space<hbm>>)
    %add3A_432 = arith.constant 56 : i32
    %add3A_433 = arith.addi %mul3A_2, %add3A_432 : i32
    %dma_start3A_434 = arith.constant 0 : i32
    %dma_start3A_435 = tpu.memref_slice %arg2[%add3A_433, %dma_start3A_434] : memref<4096x4096xf32, #tpu.memory_space<hbm>> -> memref<4x4096xf32, #tpu.memory_space<hbm>>
    %dma_start3A_436 = arith.constant 0 : i32
    %dma_start3A_437 = tpu.memref_slice %arg2[%add3A_433, %dma_start3A_436] : memref<4096x4096xf32, #tpu.memory_space<hbm>> -> memref<4x4096xf32, #tpu.memory_space<hbm>>
    tpu.enqueue_dma source(%dma_start3A_437 : memref<4x4096xf32, #tpu.memory_space<hbm>>) target(%arg9 : memref<4x4096xf32, #tpu.memory_space<vmem>>) target_semaphore(%arg15 : memref<!tpu.dma_semaphore, #tpu.memory_space<semaphore_mem>>)
    %add3A_438 = arith.constant 48 : i32
    %add3A_439 = arith.addi %mul3A_2, %add3A_438 : i32
    %dma_wait3A_440 = arith.constant 0 : i32
    %dma_wait3A_441 = tpu.memref_slice %arg2[%add3A_439, %dma_wait3A_440] : memref<4096x4096xf32, #tpu.memory_space<hbm>> -> memref<4x4096xf32, #tpu.memory_space<hbm>>
    %dma_wait3A_442 = arith.constant 0 : i32
    %dma_wait3A_443 = tpu.memref_slice %arg2[%add3A_439, %dma_wait3A_442] : memref<4096x4096xf32, #tpu.memory_space<hbm>> -> memref<4x4096xf32, #tpu.memory_space<hbm>>
    tpu.wait_dma2 semaphore(%arg13 : memref<!tpu.dma_semaphore, #tpu.memory_space<semaphore_mem>>) src(%dma_wait3A_443 : memref<4x4096xf32, #tpu.memory_space<hbm>>) dst(%arg7 : memref<4x4096xf32, #tpu.memory_space<vmem>>)
    %add3A_444 = arith.constant 48 : i32
    %add3A_445 = arith.addi %mul3A_2, %add3A_444 : i32
    %dma_start3A_446 = arith.constant 0 : i32
    %dma_start3A_447 = tpu.memref_slice %arg4[%add3A_445, %dma_start3A_446] : memref<4096x4096xf32, #tpu.memory_space<hbm>> -> memref<4x4096xf32, #tpu.memory_space<hbm>>
    %dma_start3A_448 = arith.constant 0 : i32
    %dma_start3A_449 = tpu.memref_slice %arg4[%add3A_445, %dma_start3A_448] : memref<4096x4096xf32, #tpu.memory_space<hbm>> -> memref<4x4096xf32, #tpu.memory_space<hbm>>
    tpu.enqueue_dma source(%arg7 : memref<4x4096xf32, #tpu.memory_space<vmem>>) target(%dma_start3A_449 : memref<4x4096xf32, #tpu.memory_space<hbm>>) target_semaphore(%arg16 : memref<!tpu.dma_semaphore, #tpu.memory_space<semaphore_mem>>)
    %add3A_450 = arith.constant 48 : i32
    %add3A_451 = arith.addi %mul3A_2, %add3A_450 : i32
    %dma_wait3A_452 = arith.constant 0 : i32
    %dma_wait3A_453 = tpu.memref_slice %arg4[%add3A_451, %dma_wait3A_452] : memref<4096x4096xf32, #tpu.memory_space<hbm>> -> memref<4x4096xf32, #tpu.memory_space<hbm>>
    %dma_wait3A_454 = arith.constant 0 : i32
    %dma_wait3A_455 = tpu.memref_slice %arg4[%add3A_451, %dma_wait3A_454] : memref<4096x4096xf32, #tpu.memory_space<hbm>> -> memref<4x4096xf32, #tpu.memory_space<hbm>>
    tpu.wait_dma2 semaphore(%arg16 : memref<!tpu.dma_semaphore, #tpu.memory_space<semaphore_mem>>) src(%arg7 : memref<4x4096xf32, #tpu.memory_space<vmem>>) dst(%dma_wait3A_455 : memref<4x4096xf32, #tpu.memory_space<hbm>>)
    %add3A_456 = arith.constant 60 : i32
    %add3A_457 = arith.addi %mul3A_2, %add3A_456 : i32
    %dma_start3A_458 = arith.constant 0 : i32
    %dma_start3A_459 = tpu.memref_slice %arg2[%add3A_457, %dma_start3A_458] : memref<4096x4096xf32, #tpu.memory_space<hbm>> -> memref<4x4096xf32, #tpu.memory_space<hbm>>
    %dma_start3A_460 = arith.constant 0 : i32
    %dma_start3A_461 = tpu.memref_slice %arg2[%add3A_457, %dma_start3A_460] : memref<4096x4096xf32, #tpu.memory_space<hbm>> -> memref<4x4096xf32, #tpu.memory_space<hbm>>
    tpu.enqueue_dma source(%dma_start3A_461 : memref<4x4096xf32, #tpu.memory_space<hbm>>) target(%arg7 : memref<4x4096xf32, #tpu.memory_space<vmem>>) target_semaphore(%arg13 : memref<!tpu.dma_semaphore, #tpu.memory_space<semaphore_mem>>)
    %add3A_462 = arith.constant 52 : i32
    %add3A_463 = arith.addi %mul3A_2, %add3A_462 : i32
    %dma_wait3A_464 = arith.constant 0 : i32
    %dma_wait3A_465 = tpu.memref_slice %arg2[%add3A_463, %dma_wait3A_464] : memref<4096x4096xf32, #tpu.memory_space<hbm>> -> memref<4x4096xf32, #tpu.memory_space<hbm>>
    %dma_wait3A_466 = arith.constant 0 : i32
    %dma_wait3A_467 = tpu.memref_slice %arg2[%add3A_463, %dma_wait3A_466] : memref<4096x4096xf32, #tpu.memory_space<hbm>> -> memref<4x4096xf32, #tpu.memory_space<hbm>>
    tpu.wait_dma2 semaphore(%arg14 : memref<!tpu.dma_semaphore, #tpu.memory_space<semaphore_mem>>) src(%dma_wait3A_467 : memref<4x4096xf32, #tpu.memory_space<hbm>>) dst(%arg8 : memref<4x4096xf32, #tpu.memory_space<vmem>>)
    %add3A_468 = arith.constant 52 : i32
    %add3A_469 = arith.addi %mul3A_2, %add3A_468 : i32
    %dma_start3A_470 = arith.constant 0 : i32
    %dma_start3A_471 = tpu.memref_slice %arg4[%add3A_469, %dma_start3A_470] : memref<4096x4096xf32, #tpu.memory_space<hbm>> -> memref<4x4096xf32, #tpu.memory_space<hbm>>
    %dma_start3A_472 = arith.constant 0 : i32
    %dma_start3A_473 = tpu.memref_slice %arg4[%add3A_469, %dma_start3A_472] : memref<4096x4096xf32, #tpu.memory_space<hbm>> -> memref<4x4096xf32, #tpu.memory_space<hbm>>
    tpu.enqueue_dma source(%arg8 : memref<4x4096xf32, #tpu.memory_space<vmem>>) target(%dma_start3A_473 : memref<4x4096xf32, #tpu.memory_space<hbm>>) target_semaphore(%arg17 : memref<!tpu.dma_semaphore, #tpu.memory_space<semaphore_mem>>)
    %add3A_474 = arith.constant 52 : i32
    %add3A_475 = arith.addi %mul3A_2, %add3A_474 : i32
    %dma_wait3A_476 = arith.constant 0 : i32
    %dma_wait3A_477 = tpu.memref_slice %arg4[%add3A_475, %dma_wait3A_476] : memref<4096x4096xf32, #tpu.memory_space<hbm>> -> memref<4x4096xf32, #tpu.memory_space<hbm>>
    %dma_wait3A_478 = arith.constant 0 : i32
    %dma_wait3A_479 = tpu.memref_slice %arg4[%add3A_475, %dma_wait3A_478] : memref<4096x4096xf32, #tpu.memory_space<hbm>> -> memref<4x4096xf32, #tpu.memory_space<hbm>>
    tpu.wait_dma2 semaphore(%arg17 : memref<!tpu.dma_semaphore, #tpu.memory_space<semaphore_mem>>) src(%arg8 : memref<4x4096xf32, #tpu.memory_space<vmem>>) dst(%dma_wait3A_479 : memref<4x4096xf32, #tpu.memory_space<hbm>>)
    %add3A_480 = arith.constant 64 : i32
    %add3A_481 = arith.addi %mul3A_2, %add3A_480 : i32
    %dma_start3A_482 = arith.constant 0 : i32
    %dma_start3A_483 = tpu.memref_slice %arg2[%add3A_481, %dma_start3A_482] : memref<4096x4096xf32, #tpu.memory_space<hbm>> -> memref<4x4096xf32, #tpu.memory_space<hbm>>
    %dma_start3A_484 = arith.constant 0 : i32
    %dma_start3A_485 = tpu.memref_slice %arg2[%add3A_481, %dma_start3A_484] : memref<4096x4096xf32, #tpu.memory_space<hbm>> -> memref<4x4096xf32, #tpu.memory_space<hbm>>
    tpu.enqueue_dma source(%dma_start3A_485 : memref<4x4096xf32, #tpu.memory_space<hbm>>) target(%arg8 : memref<4x4096xf32, #tpu.memory_space<vmem>>) target_semaphore(%arg14 : memref<!tpu.dma_semaphore, #tpu.memory_space<semaphore_mem>>)
    %add3A_486 = arith.constant 56 : i32
    %add3A_487 = arith.addi %mul3A_2, %add3A_486 : i32
    %dma_wait3A_488 = arith.constant 0 : i32
    %dma_wait3A_489 = tpu.memref_slice %arg2[%add3A_487, %dma_wait3A_488] : memref<4096x4096xf32, #tpu.memory_space<hbm>> -> memref<4x4096xf32, #tpu.memory_space<hbm>>
    %dma_wait3A_490 = arith.constant 0 : i32
    %dma_wait3A_491 = tpu.memref_slice %arg2[%add3A_487, %dma_wait3A_490] : memref<4096x4096xf32, #tpu.memory_space<hbm>> -> memref<4x4096xf32, #tpu.memory_space<hbm>>
    tpu.wait_dma2 semaphore(%arg15 : memref<!tpu.dma_semaphore, #tpu.memory_space<semaphore_mem>>) src(%dma_wait3A_491 : memref<4x4096xf32, #tpu.memory_space<hbm>>) dst(%arg9 : memref<4x4096xf32, #tpu.memory_space<vmem>>)
    %add3A_492 = arith.constant 56 : i32
    %add3A_493 = arith.addi %mul3A_2, %add3A_492 : i32
    %dma_start3A_494 = arith.constant 0 : i32
    %dma_start3A_495 = tpu.memref_slice %arg4[%add3A_493, %dma_start3A_494] : memref<4096x4096xf32, #tpu.memory_space<hbm>> -> memref<4x4096xf32, #tpu.memory_space<hbm>>
    %dma_start3A_496 = arith.constant 0 : i32
    %dma_start3A_497 = tpu.memref_slice %arg4[%add3A_493, %dma_start3A_496] : memref<4096x4096xf32, #tpu.memory_space<hbm>> -> memref<4x4096xf32, #tpu.memory_space<hbm>>
    tpu.enqueue_dma source(%arg9 : memref<4x4096xf32, #tpu.memory_space<vmem>>) target(%dma_start3A_497 : memref<4x4096xf32, #tpu.memory_space<hbm>>) target_semaphore(%arg18 : memref<!tpu.dma_semaphore, #tpu.memory_space<semaphore_mem>>)
    %add3A_498 = arith.constant 56 : i32
    %add3A_499 = arith.addi %mul3A_2, %add3A_498 : i32
    %dma_wait3A_500 = arith.constant 0 : i32
    %dma_wait3A_501 = tpu.memref_slice %arg4[%add3A_499, %dma_wait3A_500] : memref<4096x4096xf32, #tpu.memory_space<hbm>> -> memref<4x4096xf32, #tpu.memory_space<hbm>>
    %dma_wait3A_502 = arith.constant 0 : i32
    %dma_wait3A_503 = tpu.memref_slice %arg4[%add3A_499, %dma_wait3A_502] : memref<4096x4096xf32, #tpu.memory_space<hbm>> -> memref<4x4096xf32, #tpu.memory_space<hbm>>
    tpu.wait_dma2 semaphore(%arg18 : memref<!tpu.dma_semaphore, #tpu.memory_space<semaphore_mem>>) src(%arg9 : memref<4x4096xf32, #tpu.memory_space<vmem>>) dst(%dma_wait3A_503 : memref<4x4096xf32, #tpu.memory_space<hbm>>)
    %add3A_504 = arith.constant 68 : i32
    %add3A_505 = arith.addi %mul3A_2, %add3A_504 : i32
    %dma_start3A_506 = arith.constant 0 : i32
    %dma_start3A_507 = tpu.memref_slice %arg2[%add3A_505, %dma_start3A_506] : memref<4096x4096xf32, #tpu.memory_space<hbm>> -> memref<4x4096xf32, #tpu.memory_space<hbm>>
    %dma_start3A_508 = arith.constant 0 : i32
    %dma_start3A_509 = tpu.memref_slice %arg2[%add3A_505, %dma_start3A_508] : memref<4096x4096xf32, #tpu.memory_space<hbm>> -> memref<4x4096xf32, #tpu.memory_space<hbm>>
    tpu.enqueue_dma source(%dma_start3A_509 : memref<4x4096xf32, #tpu.memory_space<hbm>>) target(%arg9 : memref<4x4096xf32, #tpu.memory_space<vmem>>) target_semaphore(%arg15 : memref<!tpu.dma_semaphore, #tpu.memory_space<semaphore_mem>>)
    %add3A_510 = arith.constant 60 : i32
    %add3A_511 = arith.addi %mul3A_2, %add3A_510 : i32
    %dma_wait3A_512 = arith.constant 0 : i32
    %dma_wait3A_513 = tpu.memref_slice %arg2[%add3A_511, %dma_wait3A_512] : memref<4096x4096xf32, #tpu.memory_space<hbm>> -> memref<4x4096xf32, #tpu.memory_space<hbm>>
    %dma_wait3A_514 = arith.constant 0 : i32
    %dma_wait3A_515 = tpu.memref_slice %arg2[%add3A_511, %dma_wait3A_514] : memref<4096x4096xf32, #tpu.memory_space<hbm>> -> memref<4x4096xf32, #tpu.memory_space<hbm>>
    tpu.wait_dma2 semaphore(%arg13 : memref<!tpu.dma_semaphore, #tpu.memory_space<semaphore_mem>>) src(%dma_wait3A_515 : memref<4x4096xf32, #tpu.memory_space<hbm>>) dst(%arg7 : memref<4x4096xf32, #tpu.memory_space<vmem>>)
    %add3A_516 = arith.constant 60 : i32
    %add3A_517 = arith.addi %mul3A_2, %add3A_516 : i32
    %dma_start3A_518 = arith.constant 0 : i32
    %dma_start3A_519 = tpu.memref_slice %arg4[%add3A_517, %dma_start3A_518] : memref<4096x4096xf32, #tpu.memory_space<hbm>> -> memref<4x4096xf32, #tpu.memory_space<hbm>>
    %dma_start3A_520 = arith.constant 0 : i32
    %dma_start3A_521 = tpu.memref_slice %arg4[%add3A_517, %dma_start3A_520] : memref<4096x4096xf32, #tpu.memory_space<hbm>> -> memref<4x4096xf32, #tpu.memory_space<hbm>>
    tpu.enqueue_dma source(%arg7 : memref<4x4096xf32, #tpu.memory_space<vmem>>) target(%dma_start3A_521 : memref<4x4096xf32, #tpu.memory_space<hbm>>) target_semaphore(%arg16 : memref<!tpu.dma_semaphore, #tpu.memory_space<semaphore_mem>>)
    %add3A_522 = arith.constant 60 : i32
    %add3A_523 = arith.addi %mul3A_2, %add3A_522 : i32
    %dma_wait3A_524 = arith.constant 0 : i32
    %dma_wait3A_525 = tpu.memref_slice %arg4[%add3A_523, %dma_wait3A_524] : memref<4096x4096xf32, #tpu.memory_space<hbm>> -> memref<4x4096xf32, #tpu.memory_space<hbm>>
    %dma_wait3A_526 = arith.constant 0 : i32
    %dma_wait3A_527 = tpu.memref_slice %arg4[%add3A_523, %dma_wait3A_526] : memref<4096x4096xf32, #tpu.memory_space<hbm>> -> memref<4x4096xf32, #tpu.memory_space<hbm>>
    tpu.wait_dma2 semaphore(%arg16 : memref<!tpu.dma_semaphore, #tpu.memory_space<semaphore_mem>>) src(%arg7 : memref<4x4096xf32, #tpu.memory_space<vmem>>) dst(%dma_wait3A_527 : memref<4x4096xf32, #tpu.memory_space<hbm>>)
    %add3A_528 = arith.constant 72 : i32
    %add3A_529 = arith.addi %mul3A_2, %add3A_528 : i32
    %dma_start3A_530 = arith.constant 0 : i32
    %dma_start3A_531 = tpu.memref_slice %arg2[%add3A_529, %dma_start3A_530] : memref<4096x4096xf32, #tpu.memory_space<hbm>> -> memref<4x4096xf32, #tpu.memory_space<hbm>>
    %dma_start3A_532 = arith.constant 0 : i32
    %dma_start3A_533 = tpu.memref_slice %arg2[%add3A_529, %dma_start3A_532] : memref<4096x4096xf32, #tpu.memory_space<hbm>> -> memref<4x4096xf32, #tpu.memory_space<hbm>>
    tpu.enqueue_dma source(%dma_start3A_533 : memref<4x4096xf32, #tpu.memory_space<hbm>>) target(%arg7 : memref<4x4096xf32, #tpu.memory_space<vmem>>) target_semaphore(%arg13 : memref<!tpu.dma_semaphore, #tpu.memory_space<semaphore_mem>>)
    %add3A_534 = arith.constant 64 : i32
    %add3A_535 = arith.addi %mul3A_2, %add3A_534 : i32
    %dma_wait3A_536 = arith.constant 0 : i32
    %dma_wait3A_537 = tpu.memref_slice %arg2[%add3A_535, %dma_wait3A_536] : memref<4096x4096xf32, #tpu.memory_space<hbm>> -> memref<4x4096xf32, #tpu.memory_space<hbm>>
    %dma_wait3A_538 = arith.constant 0 : i32
    %dma_wait3A_539 = tpu.memref_slice %arg2[%add3A_535, %dma_wait3A_538] : memref<4096x4096xf32, #tpu.memory_space<hbm>> -> memref<4x4096xf32, #tpu.memory_space<hbm>>
    tpu.wait_dma2 semaphore(%arg14 : memref<!tpu.dma_semaphore, #tpu.memory_space<semaphore_mem>>) src(%dma_wait3A_539 : memref<4x4096xf32, #tpu.memory_space<hbm>>) dst(%arg8 : memref<4x4096xf32, #tpu.memory_space<vmem>>)
    %add3A_540 = arith.constant 64 : i32
    %add3A_541 = arith.addi %mul3A_2, %add3A_540 : i32
    %dma_start3A_542 = arith.constant 0 : i32
    %dma_start3A_543 = tpu.memref_slice %arg4[%add3A_541, %dma_start3A_542] : memref<4096x4096xf32, #tpu.memory_space<hbm>> -> memref<4x4096xf32, #tpu.memory_space<hbm>>
    %dma_start3A_544 = arith.constant 0 : i32
    %dma_start3A_545 = tpu.memref_slice %arg4[%add3A_541, %dma_start3A_544] : memref<4096x4096xf32, #tpu.memory_space<hbm>> -> memref<4x4096xf32, #tpu.memory_space<hbm>>
    tpu.enqueue_dma source(%arg8 : memref<4x4096xf32, #tpu.memory_space<vmem>>) target(%dma_start3A_545 : memref<4x4096xf32, #tpu.memory_space<hbm>>) target_semaphore(%arg17 : memref<!tpu.dma_semaphore, #tpu.memory_space<semaphore_mem>>)
    %add3A_546 = arith.constant 64 : i32
    %add3A_547 = arith.addi %mul3A_2, %add3A_546 : i32
    %dma_wait3A_548 = arith.constant 0 : i32
    %dma_wait3A_549 = tpu.memref_slice %arg4[%add3A_547, %dma_wait3A_548] : memref<4096x4096xf32, #tpu.memory_space<hbm>> -> memref<4x4096xf32, #tpu.memory_space<hbm>>
    %dma_wait3A_550 = arith.constant 0 : i32
    %dma_wait3A_551 = tpu.memref_slice %arg4[%add3A_547, %dma_wait3A_550] : memref<4096x4096xf32, #tpu.memory_space<hbm>> -> memref<4x4096xf32, #tpu.memory_space<hbm>>
    tpu.wait_dma2 semaphore(%arg17 : memref<!tpu.dma_semaphore, #tpu.memory_space<semaphore_mem>>) src(%arg8 : memref<4x4096xf32, #tpu.memory_space<vmem>>) dst(%dma_wait3A_551 : memref<4x4096xf32, #tpu.memory_space<hbm>>)
    %add3A_552 = arith.constant 76 : i32
    %add3A_553 = arith.addi %mul3A_2, %add3A_552 : i32
    %dma_start3A_554 = arith.constant 0 : i32
    %dma_start3A_555 = tpu.memref_slice %arg2[%add3A_553, %dma_start3A_554] : memref<4096x4096xf32, #tpu.memory_space<hbm>> -> memref<4x4096xf32, #tpu.memory_space<hbm>>
    %dma_start3A_556 = arith.constant 0 : i32
    %dma_start3A_557 = tpu.memref_slice %arg2[%add3A_553, %dma_start3A_556] : memref<4096x4096xf32, #tpu.memory_space<hbm>> -> memref<4x4096xf32, #tpu.memory_space<hbm>>
    tpu.enqueue_dma source(%dma_start3A_557 : memref<4x4096xf32, #tpu.memory_space<hbm>>) target(%arg8 : memref<4x4096xf32, #tpu.memory_space<vmem>>) target_semaphore(%arg14 : memref<!tpu.dma_semaphore, #tpu.memory_space<semaphore_mem>>)
    %add3A_558 = arith.constant 68 : i32
    %add3A_559 = arith.addi %mul3A_2, %add3A_558 : i32
    %dma_wait3A_560 = arith.constant 0 : i32
    %dma_wait3A_561 = tpu.memref_slice %arg2[%add3A_559, %dma_wait3A_560] : memref<4096x4096xf32, #tpu.memory_space<hbm>> -> memref<4x4096xf32, #tpu.memory_space<hbm>>
    %dma_wait3A_562 = arith.constant 0 : i32
    %dma_wait3A_563 = tpu.memref_slice %arg2[%add3A_559, %dma_wait3A_562] : memref<4096x4096xf32, #tpu.memory_space<hbm>> -> memref<4x4096xf32, #tpu.memory_space<hbm>>
    tpu.wait_dma2 semaphore(%arg15 : memref<!tpu.dma_semaphore, #tpu.memory_space<semaphore_mem>>) src(%dma_wait3A_563 : memref<4x4096xf32, #tpu.memory_space<hbm>>) dst(%arg9 : memref<4x4096xf32, #tpu.memory_space<vmem>>)
    %add3A_564 = arith.constant 68 : i32
    %add3A_565 = arith.addi %mul3A_2, %add3A_564 : i32
    %dma_start3A_566 = arith.constant 0 : i32
    %dma_start3A_567 = tpu.memref_slice %arg4[%add3A_565, %dma_start3A_566] : memref<4096x4096xf32, #tpu.memory_space<hbm>> -> memref<4x4096xf32, #tpu.memory_space<hbm>>
    %dma_start3A_568 = arith.constant 0 : i32
    %dma_start3A_569 = tpu.memref_slice %arg4[%add3A_565, %dma_start3A_568] : memref<4096x4096xf32, #tpu.memory_space<hbm>> -> memref<4x4096xf32, #tpu.memory_space<hbm>>
    tpu.enqueue_dma source(%arg9 : memref<4x4096xf32, #tpu.memory_space<vmem>>) target(%dma_start3A_569 : memref<4x4096xf32, #tpu.memory_space<hbm>>) target_semaphore(%arg18 : memref<!tpu.dma_semaphore, #tpu.memory_space<semaphore_mem>>)
    %add3A_570 = arith.constant 68 : i32
    %add3A_571 = arith.addi %mul3A_2, %add3A_570 : i32
    %dma_wait3A_572 = arith.constant 0 : i32
    %dma_wait3A_573 = tpu.memref_slice %arg4[%add3A_571, %dma_wait3A_572] : memref<4096x4096xf32, #tpu.memory_space<hbm>> -> memref<4x4096xf32, #tpu.memory_space<hbm>>
    %dma_wait3A_574 = arith.constant 0 : i32
    %dma_wait3A_575 = tpu.memref_slice %arg4[%add3A_571, %dma_wait3A_574] : memref<4096x4096xf32, #tpu.memory_space<hbm>> -> memref<4x4096xf32, #tpu.memory_space<hbm>>
    tpu.wait_dma2 semaphore(%arg18 : memref<!tpu.dma_semaphore, #tpu.memory_space<semaphore_mem>>) src(%arg9 : memref<4x4096xf32, #tpu.memory_space<vmem>>) dst(%dma_wait3A_575 : memref<4x4096xf32, #tpu.memory_space<hbm>>)
    %add3A_576 = arith.constant 80 : i32
    %add3A_577 = arith.addi %mul3A_2, %add3A_576 : i32
    %dma_start3A_578 = arith.constant 0 : i32
    %dma_start3A_579 = tpu.memref_slice %arg2[%add3A_577, %dma_start3A_578] : memref<4096x4096xf32, #tpu.memory_space<hbm>> -> memref<4x4096xf32, #tpu.memory_space<hbm>>
    %dma_start3A_580 = arith.constant 0 : i32
    %dma_start3A_581 = tpu.memref_slice %arg2[%add3A_577, %dma_start3A_580] : memref<4096x4096xf32, #tpu.memory_space<hbm>> -> memref<4x4096xf32, #tpu.memory_space<hbm>>
    tpu.enqueue_dma source(%dma_start3A_581 : memref<4x4096xf32, #tpu.memory_space<hbm>>) target(%arg9 : memref<4x4096xf32, #tpu.memory_space<vmem>>) target_semaphore(%arg15 : memref<!tpu.dma_semaphore, #tpu.memory_space<semaphore_mem>>)
    %add3A_582 = arith.constant 72 : i32
    %add3A_583 = arith.addi %mul3A_2, %add3A_582 : i32
    %dma_wait3A_584 = arith.constant 0 : i32
    %dma_wait3A_585 = tpu.memref_slice %arg2[%add3A_583, %dma_wait3A_584] : memref<4096x4096xf32, #tpu.memory_space<hbm>> -> memref<4x4096xf32, #tpu.memory_space<hbm>>
    %dma_wait3A_586 = arith.constant 0 : i32
    %dma_wait3A_587 = tpu.memref_slice %arg2[%add3A_583, %dma_wait3A_586] : memref<4096x4096xf32, #tpu.memory_space<hbm>> -> memref<4x4096xf32, #tpu.memory_space<hbm>>
    tpu.wait_dma2 semaphore(%arg13 : memref<!tpu.dma_semaphore, #tpu.memory_space<semaphore_mem>>) src(%dma_wait3A_587 : memref<4x4096xf32, #tpu.memory_space<hbm>>) dst(%arg7 : memref<4x4096xf32, #tpu.memory_space<vmem>>)
    %add3A_588 = arith.constant 72 : i32
    %add3A_589 = arith.addi %mul3A_2, %add3A_588 : i32
    %dma_start3A_590 = arith.constant 0 : i32
    %dma_start3A_591 = tpu.memref_slice %arg4[%add3A_589, %dma_start3A_590] : memref<4096x4096xf32, #tpu.memory_space<hbm>> -> memref<4x4096xf32, #tpu.memory_space<hbm>>
    %dma_start3A_592 = arith.constant 0 : i32
    %dma_start3A_593 = tpu.memref_slice %arg4[%add3A_589, %dma_start3A_592] : memref<4096x4096xf32, #tpu.memory_space<hbm>> -> memref<4x4096xf32, #tpu.memory_space<hbm>>
    tpu.enqueue_dma source(%arg7 : memref<4x4096xf32, #tpu.memory_space<vmem>>) target(%dma_start3A_593 : memref<4x4096xf32, #tpu.memory_space<hbm>>) target_semaphore(%arg16 : memref<!tpu.dma_semaphore, #tpu.memory_space<semaphore_mem>>)
    %add3A_594 = arith.constant 72 : i32
    %add3A_595 = arith.addi %mul3A_2, %add3A_594 : i32
    %dma_wait3A_596 = arith.constant 0 : i32
    %dma_wait3A_597 = tpu.memref_slice %arg4[%add3A_595, %dma_wait3A_596] : memref<4096x4096xf32, #tpu.memory_space<hbm>> -> memref<4x4096xf32, #tpu.memory_space<hbm>>
    %dma_wait3A_598 = arith.constant 0 : i32
    %dma_wait3A_599 = tpu.memref_slice %arg4[%add3A_595, %dma_wait3A_598] : memref<4096x4096xf32, #tpu.memory_space<hbm>> -> memref<4x4096xf32, #tpu.memory_space<hbm>>
    tpu.wait_dma2 semaphore(%arg16 : memref<!tpu.dma_semaphore, #tpu.memory_space<semaphore_mem>>) src(%arg7 : memref<4x4096xf32, #tpu.memory_space<vmem>>) dst(%dma_wait3A_599 : memref<4x4096xf32, #tpu.memory_space<hbm>>)
    %add3A_600 = arith.constant 84 : i32
    %add3A_601 = arith.addi %mul3A_2, %add3A_600 : i32
    %dma_start3A_602 = arith.constant 0 : i32
    %dma_start3A_603 = tpu.memref_slice %arg2[%add3A_601, %dma_start3A_602] : memref<4096x4096xf32, #tpu.memory_space<hbm>> -> memref<4x4096xf32, #tpu.memory_space<hbm>>
    %dma_start3A_604 = arith.constant 0 : i32
    %dma_start3A_605 = tpu.memref_slice %arg2[%add3A_601, %dma_start3A_604] : memref<4096x4096xf32, #tpu.memory_space<hbm>> -> memref<4x4096xf32, #tpu.memory_space<hbm>>
    tpu.enqueue_dma source(%dma_start3A_605 : memref<4x4096xf32, #tpu.memory_space<hbm>>) target(%arg7 : memref<4x4096xf32, #tpu.memory_space<vmem>>) target_semaphore(%arg13 : memref<!tpu.dma_semaphore, #tpu.memory_space<semaphore_mem>>)
    %add3A_606 = arith.constant 76 : i32
    %add3A_607 = arith.addi %mul3A_2, %add3A_606 : i32
    %dma_wait3A_608 = arith.constant 0 : i32
    %dma_wait3A_609 = tpu.memref_slice %arg2[%add3A_607, %dma_wait3A_608] : memref<4096x4096xf32, #tpu.memory_space<hbm>> -> memref<4x4096xf32, #tpu.memory_space<hbm>>
    %dma_wait3A_610 = arith.constant 0 : i32
    %dma_wait3A_611 = tpu.memref_slice %arg2[%add3A_607, %dma_wait3A_610] : memref<4096x4096xf32, #tpu.memory_space<hbm>> -> memref<4x4096xf32, #tpu.memory_space<hbm>>
    tpu.wait_dma2 semaphore(%arg14 : memref<!tpu.dma_semaphore, #tpu.memory_space<semaphore_mem>>) src(%dma_wait3A_611 : memref<4x4096xf32, #tpu.memory_space<hbm>>) dst(%arg8 : memref<4x4096xf32, #tpu.memory_space<vmem>>)
    %add3A_612 = arith.constant 76 : i32
    %add3A_613 = arith.addi %mul3A_2, %add3A_612 : i32
    %dma_start3A_614 = arith.constant 0 : i32
    %dma_start3A_615 = tpu.memref_slice %arg4[%add3A_613, %dma_start3A_614] : memref<4096x4096xf32, #tpu.memory_space<hbm>> -> memref<4x4096xf32, #tpu.memory_space<hbm>>
    %dma_start3A_616 = arith.constant 0 : i32
    %dma_start3A_617 = tpu.memref_slice %arg4[%add3A_613, %dma_start3A_616] : memref<4096x4096xf32, #tpu.memory_space<hbm>> -> memref<4x4096xf32, #tpu.memory_space<hbm>>
    tpu.enqueue_dma source(%arg8 : memref<4x4096xf32, #tpu.memory_space<vmem>>) target(%dma_start3A_617 : memref<4x4096xf32, #tpu.memory_space<hbm>>) target_semaphore(%arg17 : memref<!tpu.dma_semaphore, #tpu.memory_space<semaphore_mem>>)
    %add3A_618 = arith.constant 76 : i32
    %add3A_619 = arith.addi %mul3A_2, %add3A_618 : i32
    %dma_wait3A_620 = arith.constant 0 : i32
    %dma_wait3A_621 = tpu.memref_slice %arg4[%add3A_619, %dma_wait3A_620] : memref<4096x4096xf32, #tpu.memory_space<hbm>> -> memref<4x4096xf32, #tpu.memory_space<hbm>>
    %dma_wait3A_622 = arith.constant 0 : i32
    %dma_wait3A_623 = tpu.memref_slice %arg4[%add3A_619, %dma_wait3A_622] : memref<4096x4096xf32, #tpu.memory_space<hbm>> -> memref<4x4096xf32, #tpu.memory_space<hbm>>
    tpu.wait_dma2 semaphore(%arg17 : memref<!tpu.dma_semaphore, #tpu.memory_space<semaphore_mem>>) src(%arg8 : memref<4x4096xf32, #tpu.memory_space<vmem>>) dst(%dma_wait3A_623 : memref<4x4096xf32, #tpu.memory_space<hbm>>)
    %add3A_624 = arith.constant 88 : i32
    %add3A_625 = arith.addi %mul3A_2, %add3A_624 : i32
    %dma_start3A_626 = arith.constant 0 : i32
    %dma_start3A_627 = tpu.memref_slice %arg2[%add3A_625, %dma_start3A_626] : memref<4096x4096xf32, #tpu.memory_space<hbm>> -> memref<4x4096xf32, #tpu.memory_space<hbm>>
    %dma_start3A_628 = arith.constant 0 : i32
    %dma_start3A_629 = tpu.memref_slice %arg2[%add3A_625, %dma_start3A_628] : memref<4096x4096xf32, #tpu.memory_space<hbm>> -> memref<4x4096xf32, #tpu.memory_space<hbm>>
    tpu.enqueue_dma source(%dma_start3A_629 : memref<4x4096xf32, #tpu.memory_space<hbm>>) target(%arg8 : memref<4x4096xf32, #tpu.memory_space<vmem>>) target_semaphore(%arg14 : memref<!tpu.dma_semaphore, #tpu.memory_space<semaphore_mem>>)
    %add3A_630 = arith.constant 80 : i32
    %add3A_631 = arith.addi %mul3A_2, %add3A_630 : i32
    %dma_wait3A_632 = arith.constant 0 : i32
    %dma_wait3A_633 = tpu.memref_slice %arg2[%add3A_631, %dma_wait3A_632] : memref<4096x4096xf32, #tpu.memory_space<hbm>> -> memref<4x4096xf32, #tpu.memory_space<hbm>>
    %dma_wait3A_634 = arith.constant 0 : i32
    %dma_wait3A_635 = tpu.memref_slice %arg2[%add3A_631, %dma_wait3A_634] : memref<4096x4096xf32, #tpu.memory_space<hbm>> -> memref<4x4096xf32, #tpu.memory_space<hbm>>
    tpu.wait_dma2 semaphore(%arg15 : memref<!tpu.dma_semaphore, #tpu.memory_space<semaphore_mem>>) src(%dma_wait3A_635 : memref<4x4096xf32, #tpu.memory_space<hbm>>) dst(%arg9 : memref<4x4096xf32, #tpu.memory_space<vmem>>)
    %add3A_636 = arith.constant 80 : i32
    %add3A_637 = arith.addi %mul3A_2, %add3A_636 : i32
    %dma_start3A_638 = arith.constant 0 : i32
    %dma_start3A_639 = tpu.memref_slice %arg4[%add3A_637, %dma_start3A_638] : memref<4096x4096xf32, #tpu.memory_space<hbm>> -> memref<4x4096xf32, #tpu.memory_space<hbm>>
    %dma_start3A_640 = arith.constant 0 : i32
    %dma_start3A_641 = tpu.memref_slice %arg4[%add3A_637, %dma_start3A_640] : memref<4096x4096xf32, #tpu.memory_space<hbm>> -> memref<4x4096xf32, #tpu.memory_space<hbm>>
    tpu.enqueue_dma source(%arg9 : memref<4x4096xf32, #tpu.memory_space<vmem>>) target(%dma_start3A_641 : memref<4x4096xf32, #tpu.memory_space<hbm>>) target_semaphore(%arg18 : memref<!tpu.dma_semaphore, #tpu.memory_space<semaphore_mem>>)
    %add3A_642 = arith.constant 80 : i32
    %add3A_643 = arith.addi %mul3A_2, %add3A_642 : i32
    %dma_wait3A_644 = arith.constant 0 : i32
    %dma_wait3A_645 = tpu.memref_slice %arg4[%add3A_643, %dma_wait3A_644] : memref<4096x4096xf32, #tpu.memory_space<hbm>> -> memref<4x4096xf32, #tpu.memory_space<hbm>>
    %dma_wait3A_646 = arith.constant 0 : i32
    %dma_wait3A_647 = tpu.memref_slice %arg4[%add3A_643, %dma_wait3A_646] : memref<4096x4096xf32, #tpu.memory_space<hbm>> -> memref<4x4096xf32, #tpu.memory_space<hbm>>
    tpu.wait_dma2 semaphore(%arg18 : memref<!tpu.dma_semaphore, #tpu.memory_space<semaphore_mem>>) src(%arg9 : memref<4x4096xf32, #tpu.memory_space<vmem>>) dst(%dma_wait3A_647 : memref<4x4096xf32, #tpu.memory_space<hbm>>)
    %add3A_648 = arith.constant 92 : i32
    %add3A_649 = arith.addi %mul3A_2, %add3A_648 : i32
    %dma_start3A_650 = arith.constant 0 : i32
    %dma_start3A_651 = tpu.memref_slice %arg2[%add3A_649, %dma_start3A_650] : memref<4096x4096xf32, #tpu.memory_space<hbm>> -> memref<4x4096xf32, #tpu.memory_space<hbm>>
    %dma_start3A_652 = arith.constant 0 : i32
    %dma_start3A_653 = tpu.memref_slice %arg2[%add3A_649, %dma_start3A_652] : memref<4096x4096xf32, #tpu.memory_space<hbm>> -> memref<4x4096xf32, #tpu.memory_space<hbm>>
    tpu.enqueue_dma source(%dma_start3A_653 : memref<4x4096xf32, #tpu.memory_space<hbm>>) target(%arg9 : memref<4x4096xf32, #tpu.memory_space<vmem>>) target_semaphore(%arg15 : memref<!tpu.dma_semaphore, #tpu.memory_space<semaphore_mem>>)
    %add3A_654 = arith.constant 84 : i32
    %add3A_655 = arith.addi %mul3A_2, %add3A_654 : i32
    %dma_wait3A_656 = arith.constant 0 : i32
    %dma_wait3A_657 = tpu.memref_slice %arg2[%add3A_655, %dma_wait3A_656] : memref<4096x4096xf32, #tpu.memory_space<hbm>> -> memref<4x4096xf32, #tpu.memory_space<hbm>>
    %dma_wait3A_658 = arith.constant 0 : i32
    %dma_wait3A_659 = tpu.memref_slice %arg2[%add3A_655, %dma_wait3A_658] : memref<4096x4096xf32, #tpu.memory_space<hbm>> -> memref<4x4096xf32, #tpu.memory_space<hbm>>
    tpu.wait_dma2 semaphore(%arg13 : memref<!tpu.dma_semaphore, #tpu.memory_space<semaphore_mem>>) src(%dma_wait3A_659 : memref<4x4096xf32, #tpu.memory_space<hbm>>) dst(%arg7 : memref<4x4096xf32, #tpu.memory_space<vmem>>)
    %add3A_660 = arith.constant 84 : i32
    %add3A_661 = arith.addi %mul3A_2, %add3A_660 : i32
    %dma_start3A_662 = arith.constant 0 : i32
    %dma_start3A_663 = tpu.memref_slice %arg4[%add3A_661, %dma_start3A_662] : memref<4096x4096xf32, #tpu.memory_space<hbm>> -> memref<4x4096xf32, #tpu.memory_space<hbm>>
    %dma_start3A_664 = arith.constant 0 : i32
    %dma_start3A_665 = tpu.memref_slice %arg4[%add3A_661, %dma_start3A_664] : memref<4096x4096xf32, #tpu.memory_space<hbm>> -> memref<4x4096xf32, #tpu.memory_space<hbm>>
    tpu.enqueue_dma source(%arg7 : memref<4x4096xf32, #tpu.memory_space<vmem>>) target(%dma_start3A_665 : memref<4x4096xf32, #tpu.memory_space<hbm>>) target_semaphore(%arg16 : memref<!tpu.dma_semaphore, #tpu.memory_space<semaphore_mem>>)
    %add3A_666 = arith.constant 84 : i32
    %add3A_667 = arith.addi %mul3A_2, %add3A_666 : i32
    %dma_wait3A_668 = arith.constant 0 : i32
    %dma_wait3A_669 = tpu.memref_slice %arg4[%add3A_667, %dma_wait3A_668] : memref<4096x4096xf32, #tpu.memory_space<hbm>> -> memref<4x4096xf32, #tpu.memory_space<hbm>>
    %dma_wait3A_670 = arith.constant 0 : i32
    %dma_wait3A_671 = tpu.memref_slice %arg4[%add3A_667, %dma_wait3A_670] : memref<4096x4096xf32, #tpu.memory_space<hbm>> -> memref<4x4096xf32, #tpu.memory_space<hbm>>
    tpu.wait_dma2 semaphore(%arg16 : memref<!tpu.dma_semaphore, #tpu.memory_space<semaphore_mem>>) src(%arg7 : memref<4x4096xf32, #tpu.memory_space<vmem>>) dst(%dma_wait3A_671 : memref<4x4096xf32, #tpu.memory_space<hbm>>)
    %add3A_672 = arith.constant 96 : i32
    %add3A_673 = arith.addi %mul3A_2, %add3A_672 : i32
    %dma_start3A_674 = arith.constant 0 : i32
    %dma_start3A_675 = tpu.memref_slice %arg2[%add3A_673, %dma_start3A_674] : memref<4096x4096xf32, #tpu.memory_space<hbm>> -> memref<4x4096xf32, #tpu.memory_space<hbm>>
    %dma_start3A_676 = arith.constant 0 : i32
    %dma_start3A_677 = tpu.memref_slice %arg2[%add3A_673, %dma_start3A_676] : memref<4096x4096xf32, #tpu.memory_space<hbm>> -> memref<4x4096xf32, #tpu.memory_space<hbm>>
    tpu.enqueue_dma source(%dma_start3A_677 : memref<4x4096xf32, #tpu.memory_space<hbm>>) target(%arg7 : memref<4x4096xf32, #tpu.memory_space<vmem>>) target_semaphore(%arg13 : memref<!tpu.dma_semaphore, #tpu.memory_space<semaphore_mem>>)
    %add3A_678 = arith.constant 88 : i32
    %add3A_679 = arith.addi %mul3A_2, %add3A_678 : i32
    %dma_wait3A_680 = arith.constant 0 : i32
    %dma_wait3A_681 = tpu.memref_slice %arg2[%add3A_679, %dma_wait3A_680] : memref<4096x4096xf32, #tpu.memory_space<hbm>> -> memref<4x4096xf32, #tpu.memory_space<hbm>>
    %dma_wait3A_682 = arith.constant 0 : i32
    %dma_wait3A_683 = tpu.memref_slice %arg2[%add3A_679, %dma_wait3A_682] : memref<4096x4096xf32, #tpu.memory_space<hbm>> -> memref<4x4096xf32, #tpu.memory_space<hbm>>
    tpu.wait_dma2 semaphore(%arg14 : memref<!tpu.dma_semaphore, #tpu.memory_space<semaphore_mem>>) src(%dma_wait3A_683 : memref<4x4096xf32, #tpu.memory_space<hbm>>) dst(%arg8 : memref<4x4096xf32, #tpu.memory_space<vmem>>)
    %add3A_684 = arith.constant 88 : i32
    %add3A_685 = arith.addi %mul3A_2, %add3A_684 : i32
    %dma_start3A_686 = arith.constant 0 : i32
    %dma_start3A_687 = tpu.memref_slice %arg4[%add3A_685, %dma_start3A_686] : memref<4096x4096xf32, #tpu.memory_space<hbm>> -> memref<4x4096xf32, #tpu.memory_space<hbm>>
    %dma_start3A_688 = arith.constant 0 : i32
    %dma_start3A_689 = tpu.memref_slice %arg4[%add3A_685, %dma_start3A_688] : memref<4096x4096xf32, #tpu.memory_space<hbm>> -> memref<4x4096xf32, #tpu.memory_space<hbm>>
    tpu.enqueue_dma source(%arg8 : memref<4x4096xf32, #tpu.memory_space<vmem>>) target(%dma_start3A_689 : memref<4x4096xf32, #tpu.memory_space<hbm>>) target_semaphore(%arg17 : memref<!tpu.dma_semaphore, #tpu.memory_space<semaphore_mem>>)
    %add3A_690 = arith.constant 88 : i32
    %add3A_691 = arith.addi %mul3A_2, %add3A_690 : i32
    %dma_wait3A_692 = arith.constant 0 : i32
    %dma_wait3A_693 = tpu.memref_slice %arg4[%add3A_691, %dma_wait3A_692] : memref<4096x4096xf32, #tpu.memory_space<hbm>> -> memref<4x4096xf32, #tpu.memory_space<hbm>>
    %dma_wait3A_694 = arith.constant 0 : i32
    %dma_wait3A_695 = tpu.memref_slice %arg4[%add3A_691, %dma_wait3A_694] : memref<4096x4096xf32, #tpu.memory_space<hbm>> -> memref<4x4096xf32, #tpu.memory_space<hbm>>
    tpu.wait_dma2 semaphore(%arg17 : memref<!tpu.dma_semaphore, #tpu.memory_space<semaphore_mem>>) src(%arg8 : memref<4x4096xf32, #tpu.memory_space<vmem>>) dst(%dma_wait3A_695 : memref<4x4096xf32, #tpu.memory_space<hbm>>)
    %add3A_696 = arith.constant 100 : i32
    %add3A_697 = arith.addi %mul3A_2, %add3A_696 : i32
    %dma_start3A_698 = arith.constant 0 : i32
    %dma_start3A_699 = tpu.memref_slice %arg2[%add3A_697, %dma_start3A_698] : memref<4096x4096xf32, #tpu.memory_space<hbm>> -> memref<4x4096xf32, #tpu.memory_space<hbm>>
    %dma_start3A_700 = arith.constant 0 : i32
    %dma_start3A_701 = tpu.memref_slice %arg2[%add3A_697, %dma_start3A_700] : memref<4096x4096xf32, #tpu.memory_space<hbm>> -> memref<4x4096xf32, #tpu.memory_space<hbm>>
    tpu.enqueue_dma source(%dma_start3A_701 : memref<4x4096xf32, #tpu.memory_space<hbm>>) target(%arg8 : memref<4x4096xf32, #tpu.memory_space<vmem>>) target_semaphore(%arg14 : memref<!tpu.dma_semaphore, #tpu.memory_space<semaphore_mem>>)
    %add3A_702 = arith.constant 92 : i32
    %add3A_703 = arith.addi %mul3A_2, %add3A_702 : i32
    %dma_wait3A_704 = arith.constant 0 : i32
    %dma_wait3A_705 = tpu.memref_slice %arg2[%add3A_703, %dma_wait3A_704] : memref<4096x4096xf32, #tpu.memory_space<hbm>> -> memref<4x4096xf32, #tpu.memory_space<hbm>>
    %dma_wait3A_706 = arith.constant 0 : i32
    %dma_wait3A_707 = tpu.memref_slice %arg2[%add3A_703, %dma_wait3A_706] : memref<4096x4096xf32, #tpu.memory_space<hbm>> -> memref<4x4096xf32, #tpu.memory_space<hbm>>
    tpu.wait_dma2 semaphore(%arg15 : memref<!tpu.dma_semaphore, #tpu.memory_space<semaphore_mem>>) src(%dma_wait3A_707 : memref<4x4096xf32, #tpu.memory_space<hbm>>) dst(%arg9 : memref<4x4096xf32, #tpu.memory_space<vmem>>)
    %add3A_708 = arith.constant 92 : i32
    %add3A_709 = arith.addi %mul3A_2, %add3A_708 : i32
    %dma_start3A_710 = arith.constant 0 : i32
    %dma_start3A_711 = tpu.memref_slice %arg4[%add3A_709, %dma_start3A_710] : memref<4096x4096xf32, #tpu.memory_space<hbm>> -> memref<4x4096xf32, #tpu.memory_space<hbm>>
    %dma_start3A_712 = arith.constant 0 : i32
    %dma_start3A_713 = tpu.memref_slice %arg4[%add3A_709, %dma_start3A_712] : memref<4096x4096xf32, #tpu.memory_space<hbm>> -> memref<4x4096xf32, #tpu.memory_space<hbm>>
    tpu.enqueue_dma source(%arg9 : memref<4x4096xf32, #tpu.memory_space<vmem>>) target(%dma_start3A_713 : memref<4x4096xf32, #tpu.memory_space<hbm>>) target_semaphore(%arg18 : memref<!tpu.dma_semaphore, #tpu.memory_space<semaphore_mem>>)
    %add3A_714 = arith.constant 92 : i32
    %add3A_715 = arith.addi %mul3A_2, %add3A_714 : i32
    %dma_wait3A_716 = arith.constant 0 : i32
    %dma_wait3A_717 = tpu.memref_slice %arg4[%add3A_715, %dma_wait3A_716] : memref<4096x4096xf32, #tpu.memory_space<hbm>> -> memref<4x4096xf32, #tpu.memory_space<hbm>>
    %dma_wait3A_718 = arith.constant 0 : i32
    %dma_wait3A_719 = tpu.memref_slice %arg4[%add3A_715, %dma_wait3A_718] : memref<4096x4096xf32, #tpu.memory_space<hbm>> -> memref<4x4096xf32, #tpu.memory_space<hbm>>
    tpu.wait_dma2 semaphore(%arg18 : memref<!tpu.dma_semaphore, #tpu.memory_space<semaphore_mem>>) src(%arg9 : memref<4x4096xf32, #tpu.memory_space<vmem>>) dst(%dma_wait3A_719 : memref<4x4096xf32, #tpu.memory_space<hbm>>)
    %add3A_720 = arith.constant 104 : i32
    %add3A_721 = arith.addi %mul3A_2, %add3A_720 : i32
    %dma_start3A_722 = arith.constant 0 : i32
    %dma_start3A_723 = tpu.memref_slice %arg2[%add3A_721, %dma_start3A_722] : memref<4096x4096xf32, #tpu.memory_space<hbm>> -> memref<4x4096xf32, #tpu.memory_space<hbm>>
    %dma_start3A_724 = arith.constant 0 : i32
    %dma_start3A_725 = tpu.memref_slice %arg2[%add3A_721, %dma_start3A_724] : memref<4096x4096xf32, #tpu.memory_space<hbm>> -> memref<4x4096xf32, #tpu.memory_space<hbm>>
    tpu.enqueue_dma source(%dma_start3A_725 : memref<4x4096xf32, #tpu.memory_space<hbm>>) target(%arg9 : memref<4x4096xf32, #tpu.memory_space<vmem>>) target_semaphore(%arg15 : memref<!tpu.dma_semaphore, #tpu.memory_space<semaphore_mem>>)
    %add3A_726 = arith.constant 96 : i32
    %add3A_727 = arith.addi %mul3A_2, %add3A_726 : i32
    %dma_wait3A_728 = arith.constant 0 : i32
    %dma_wait3A_729 = tpu.memref_slice %arg2[%add3A_727, %dma_wait3A_728] : memref<4096x4096xf32, #tpu.memory_space<hbm>> -> memref<4x4096xf32, #tpu.memory_space<hbm>>
    %dma_wait3A_730 = arith.constant 0 : i32
    %dma_wait3A_731 = tpu.memref_slice %arg2[%add3A_727, %dma_wait3A_730] : memref<4096x4096xf32, #tpu.memory_space<hbm>> -> memref<4x4096xf32, #tpu.memory_space<hbm>>
    tpu.wait_dma2 semaphore(%arg13 : memref<!tpu.dma_semaphore, #tpu.memory_space<semaphore_mem>>) src(%dma_wait3A_731 : memref<4x4096xf32, #tpu.memory_space<hbm>>) dst(%arg7 : memref<4x4096xf32, #tpu.memory_space<vmem>>)
    %add3A_732 = arith.constant 96 : i32
    %add3A_733 = arith.addi %mul3A_2, %add3A_732 : i32
    %dma_start3A_734 = arith.constant 0 : i32
    %dma_start3A_735 = tpu.memref_slice %arg4[%add3A_733, %dma_start3A_734] : memref<4096x4096xf32, #tpu.memory_space<hbm>> -> memref<4x4096xf32, #tpu.memory_space<hbm>>
    %dma_start3A_736 = arith.constant 0 : i32
    %dma_start3A_737 = tpu.memref_slice %arg4[%add3A_733, %dma_start3A_736] : memref<4096x4096xf32, #tpu.memory_space<hbm>> -> memref<4x4096xf32, #tpu.memory_space<hbm>>
    tpu.enqueue_dma source(%arg7 : memref<4x4096xf32, #tpu.memory_space<vmem>>) target(%dma_start3A_737 : memref<4x4096xf32, #tpu.memory_space<hbm>>) target_semaphore(%arg16 : memref<!tpu.dma_semaphore, #tpu.memory_space<semaphore_mem>>)
    %add3A_738 = arith.constant 96 : i32
    %add3A_739 = arith.addi %mul3A_2, %add3A_738 : i32
    %dma_wait3A_740 = arith.constant 0 : i32
    %dma_wait3A_741 = tpu.memref_slice %arg4[%add3A_739, %dma_wait3A_740] : memref<4096x4096xf32, #tpu.memory_space<hbm>> -> memref<4x4096xf32, #tpu.memory_space<hbm>>
    %dma_wait3A_742 = arith.constant 0 : i32
    %dma_wait3A_743 = tpu.memref_slice %arg4[%add3A_739, %dma_wait3A_742] : memref<4096x4096xf32, #tpu.memory_space<hbm>> -> memref<4x4096xf32, #tpu.memory_space<hbm>>
    tpu.wait_dma2 semaphore(%arg16 : memref<!tpu.dma_semaphore, #tpu.memory_space<semaphore_mem>>) src(%arg7 : memref<4x4096xf32, #tpu.memory_space<vmem>>) dst(%dma_wait3A_743 : memref<4x4096xf32, #tpu.memory_space<hbm>>)
    %add3A_744 = arith.constant 108 : i32
    %add3A_745 = arith.addi %mul3A_2, %add3A_744 : i32
    %dma_start3A_746 = arith.constant 0 : i32
    %dma_start3A_747 = tpu.memref_slice %arg2[%add3A_745, %dma_start3A_746] : memref<4096x4096xf32, #tpu.memory_space<hbm>> -> memref<4x4096xf32, #tpu.memory_space<hbm>>
    %dma_start3A_748 = arith.constant 0 : i32
    %dma_start3A_749 = tpu.memref_slice %arg2[%add3A_745, %dma_start3A_748] : memref<4096x4096xf32, #tpu.memory_space<hbm>> -> memref<4x4096xf32, #tpu.memory_space<hbm>>
    tpu.enqueue_dma source(%dma_start3A_749 : memref<4x4096xf32, #tpu.memory_space<hbm>>) target(%arg7 : memref<4x4096xf32, #tpu.memory_space<vmem>>) target_semaphore(%arg13 : memref<!tpu.dma_semaphore, #tpu.memory_space<semaphore_mem>>)
    %add3A_750 = arith.constant 100 : i32
    %add3A_751 = arith.addi %mul3A_2, %add3A_750 : i32
    %dma_wait3A_752 = arith.constant 0 : i32
    %dma_wait3A_753 = tpu.memref_slice %arg2[%add3A_751, %dma_wait3A_752] : memref<4096x4096xf32, #tpu.memory_space<hbm>> -> memref<4x4096xf32, #tpu.memory_space<hbm>>
    %dma_wait3A_754 = arith.constant 0 : i32
    %dma_wait3A_755 = tpu.memref_slice %arg2[%add3A_751, %dma_wait3A_754] : memref<4096x4096xf32, #tpu.memory_space<hbm>> -> memref<4x4096xf32, #tpu.memory_space<hbm>>
    tpu.wait_dma2 semaphore(%arg14 : memref<!tpu.dma_semaphore, #tpu.memory_space<semaphore_mem>>) src(%dma_wait3A_755 : memref<4x4096xf32, #tpu.memory_space<hbm>>) dst(%arg8 : memref<4x4096xf32, #tpu.memory_space<vmem>>)
    %add3A_756 = arith.constant 100 : i32
    %add3A_757 = arith.addi %mul3A_2, %add3A_756 : i32
    %dma_start3A_758 = arith.constant 0 : i32
    %dma_start3A_759 = tpu.memref_slice %arg4[%add3A_757, %dma_start3A_758] : memref<4096x4096xf32, #tpu.memory_space<hbm>> -> memref<4x4096xf32, #tpu.memory_space<hbm>>
    %dma_start3A_760 = arith.constant 0 : i32
    %dma_start3A_761 = tpu.memref_slice %arg4[%add3A_757, %dma_start3A_760] : memref<4096x4096xf32, #tpu.memory_space<hbm>> -> memref<4x4096xf32, #tpu.memory_space<hbm>>
    tpu.enqueue_dma source(%arg8 : memref<4x4096xf32, #tpu.memory_space<vmem>>) target(%dma_start3A_761 : memref<4x4096xf32, #tpu.memory_space<hbm>>) target_semaphore(%arg17 : memref<!tpu.dma_semaphore, #tpu.memory_space<semaphore_mem>>)
    %add3A_762 = arith.constant 100 : i32
    %add3A_763 = arith.addi %mul3A_2, %add3A_762 : i32
    %dma_wait3A_764 = arith.constant 0 : i32
    %dma_wait3A_765 = tpu.memref_slice %arg4[%add3A_763, %dma_wait3A_764] : memref<4096x4096xf32, #tpu.memory_space<hbm>> -> memref<4x4096xf32, #tpu.memory_space<hbm>>
    %dma_wait3A_766 = arith.constant 0 : i32
    %dma_wait3A_767 = tpu.memref_slice %arg4[%add3A_763, %dma_wait3A_766] : memref<4096x4096xf32, #tpu.memory_space<hbm>> -> memref<4x4096xf32, #tpu.memory_space<hbm>>
    tpu.wait_dma2 semaphore(%arg17 : memref<!tpu.dma_semaphore, #tpu.memory_space<semaphore_mem>>) src(%arg8 : memref<4x4096xf32, #tpu.memory_space<vmem>>) dst(%dma_wait3A_767 : memref<4x4096xf32, #tpu.memory_space<hbm>>)
    %add3A_768 = arith.constant 112 : i32
    %add3A_769 = arith.addi %mul3A_2, %add3A_768 : i32
    %dma_start3A_770 = arith.constant 0 : i32
    %dma_start3A_771 = tpu.memref_slice %arg2[%add3A_769, %dma_start3A_770] : memref<4096x4096xf32, #tpu.memory_space<hbm>> -> memref<4x4096xf32, #tpu.memory_space<hbm>>
    %dma_start3A_772 = arith.constant 0 : i32
    %dma_start3A_773 = tpu.memref_slice %arg2[%add3A_769, %dma_start3A_772] : memref<4096x4096xf32, #tpu.memory_space<hbm>> -> memref<4x4096xf32, #tpu.memory_space<hbm>>
    tpu.enqueue_dma source(%dma_start3A_773 : memref<4x4096xf32, #tpu.memory_space<hbm>>) target(%arg8 : memref<4x4096xf32, #tpu.memory_space<vmem>>) target_semaphore(%arg14 : memref<!tpu.dma_semaphore, #tpu.memory_space<semaphore_mem>>)
    %add3A_774 = arith.constant 104 : i32
    %add3A_775 = arith.addi %mul3A_2, %add3A_774 : i32
    %dma_wait3A_776 = arith.constant 0 : i32
    %dma_wait3A_777 = tpu.memref_slice %arg2[%add3A_775, %dma_wait3A_776] : memref<4096x4096xf32, #tpu.memory_space<hbm>> -> memref<4x4096xf32, #tpu.memory_space<hbm>>
    %dma_wait3A_778 = arith.constant 0 : i32
    %dma_wait3A_779 = tpu.memref_slice %arg2[%add3A_775, %dma_wait3A_778] : memref<4096x4096xf32, #tpu.memory_space<hbm>> -> memref<4x4096xf32, #tpu.memory_space<hbm>>
    tpu.wait_dma2 semaphore(%arg15 : memref<!tpu.dma_semaphore, #tpu.memory_space<semaphore_mem>>) src(%dma_wait3A_779 : memref<4x4096xf32, #tpu.memory_space<hbm>>) dst(%arg9 : memref<4x4096xf32, #tpu.memory_space<vmem>>)
    %add3A_780 = arith.constant 104 : i32
    %add3A_781 = arith.addi %mul3A_2, %add3A_780 : i32
    %dma_start3A_782 = arith.constant 0 : i32
    %dma_start3A_783 = tpu.memref_slice %arg4[%add3A_781, %dma_start3A_782] : memref<4096x4096xf32, #tpu.memory_space<hbm>> -> memref<4x4096xf32, #tpu.memory_space<hbm>>
    %dma_start3A_784 = arith.constant 0 : i32
    %dma_start3A_785 = tpu.memref_slice %arg4[%add3A_781, %dma_start3A_784] : memref<4096x4096xf32, #tpu.memory_space<hbm>> -> memref<4x4096xf32, #tpu.memory_space<hbm>>
    tpu.enqueue_dma source(%arg9 : memref<4x4096xf32, #tpu.memory_space<vmem>>) target(%dma_start3A_785 : memref<4x4096xf32, #tpu.memory_space<hbm>>) target_semaphore(%arg18 : memref<!tpu.dma_semaphore, #tpu.memory_space<semaphore_mem>>)
    %add3A_786 = arith.constant 104 : i32
    %add3A_787 = arith.addi %mul3A_2, %add3A_786 : i32
    %dma_wait3A_788 = arith.constant 0 : i32
    %dma_wait3A_789 = tpu.memref_slice %arg4[%add3A_787, %dma_wait3A_788] : memref<4096x4096xf32, #tpu.memory_space<hbm>> -> memref<4x4096xf32, #tpu.memory_space<hbm>>
    %dma_wait3A_790 = arith.constant 0 : i32
    %dma_wait3A_791 = tpu.memref_slice %arg4[%add3A_787, %dma_wait3A_790] : memref<4096x4096xf32, #tpu.memory_space<hbm>> -> memref<4x4096xf32, #tpu.memory_space<hbm>>
    tpu.wait_dma2 semaphore(%arg18 : memref<!tpu.dma_semaphore, #tpu.memory_space<semaphore_mem>>) src(%arg9 : memref<4x4096xf32, #tpu.memory_space<vmem>>) dst(%dma_wait3A_791 : memref<4x4096xf32, #tpu.memory_space<hbm>>)
    %add3A_792 = arith.constant 116 : i32
    %add3A_793 = arith.addi %mul3A_2, %add3A_792 : i32
    %dma_start3A_794 = arith.constant 0 : i32
    %dma_start3A_795 = tpu.memref_slice %arg2[%add3A_793, %dma_start3A_794] : memref<4096x4096xf32, #tpu.memory_space<hbm>> -> memref<4x4096xf32, #tpu.memory_space<hbm>>
    %dma_start3A_796 = arith.constant 0 : i32
    %dma_start3A_797 = tpu.memref_slice %arg2[%add3A_793, %dma_start3A_796] : memref<4096x4096xf32, #tpu.memory_space<hbm>> -> memref<4x4096xf32, #tpu.memory_space<hbm>>
    tpu.enqueue_dma source(%dma_start3A_797 : memref<4x4096xf32, #tpu.memory_space<hbm>>) target(%arg9 : memref<4x4096xf32, #tpu.memory_space<vmem>>) target_semaphore(%arg15 : memref<!tpu.dma_semaphore, #tpu.memory_space<semaphore_mem>>)
    %add3A_798 = arith.constant 108 : i32
    %add3A_799 = arith.addi %mul3A_2, %add3A_798 : i32
    %dma_wait3A_800 = arith.constant 0 : i32
    %dma_wait3A_801 = tpu.memref_slice %arg2[%add3A_799, %dma_wait3A_800] : memref<4096x4096xf32, #tpu.memory_space<hbm>> -> memref<4x4096xf32, #tpu.memory_space<hbm>>
    %dma_wait3A_802 = arith.constant 0 : i32
    %dma_wait3A_803 = tpu.memref_slice %arg2[%add3A_799, %dma_wait3A_802] : memref<4096x4096xf32, #tpu.memory_space<hbm>> -> memref<4x4096xf32, #tpu.memory_space<hbm>>
    tpu.wait_dma2 semaphore(%arg13 : memref<!tpu.dma_semaphore, #tpu.memory_space<semaphore_mem>>) src(%dma_wait3A_803 : memref<4x4096xf32, #tpu.memory_space<hbm>>) dst(%arg7 : memref<4x4096xf32, #tpu.memory_space<vmem>>)
    %add3A_804 = arith.constant 108 : i32
    %add3A_805 = arith.addi %mul3A_2, %add3A_804 : i32
    %dma_start3A_806 = arith.constant 0 : i32
    %dma_start3A_807 = tpu.memref_slice %arg4[%add3A_805, %dma_start3A_806] : memref<4096x4096xf32, #tpu.memory_space<hbm>> -> memref<4x4096xf32, #tpu.memory_space<hbm>>
    %dma_start3A_808 = arith.constant 0 : i32
    %dma_start3A_809 = tpu.memref_slice %arg4[%add3A_805, %dma_start3A_808] : memref<4096x4096xf32, #tpu.memory_space<hbm>> -> memref<4x4096xf32, #tpu.memory_space<hbm>>
    tpu.enqueue_dma source(%arg7 : memref<4x4096xf32, #tpu.memory_space<vmem>>) target(%dma_start3A_809 : memref<4x4096xf32, #tpu.memory_space<hbm>>) target_semaphore(%arg16 : memref<!tpu.dma_semaphore, #tpu.memory_space<semaphore_mem>>)
    %add3A_810 = arith.constant 108 : i32
    %add3A_811 = arith.addi %mul3A_2, %add3A_810 : i32
    %dma_wait3A_812 = arith.constant 0 : i32
    %dma_wait3A_813 = tpu.memref_slice %arg4[%add3A_811, %dma_wait3A_812] : memref<4096x4096xf32, #tpu.memory_space<hbm>> -> memref<4x4096xf32, #tpu.memory_space<hbm>>
    %dma_wait3A_814 = arith.constant 0 : i32
    %dma_wait3A_815 = tpu.memref_slice %arg4[%add3A_811, %dma_wait3A_814] : memref<4096x4096xf32, #tpu.memory_space<hbm>> -> memref<4x4096xf32, #tpu.memory_space<hbm>>
    tpu.wait_dma2 semaphore(%arg16 : memref<!tpu.dma_semaphore, #tpu.memory_space<semaphore_mem>>) src(%arg7 : memref<4x4096xf32, #tpu.memory_space<vmem>>) dst(%dma_wait3A_815 : memref<4x4096xf32, #tpu.memory_space<hbm>>)
    %add3A_816 = arith.constant 120 : i32
    %add3A_817 = arith.addi %mul3A_2, %add3A_816 : i32
    %dma_start3A_818 = arith.constant 0 : i32
    %dma_start3A_819 = tpu.memref_slice %arg2[%add3A_817, %dma_start3A_818] : memref<4096x4096xf32, #tpu.memory_space<hbm>> -> memref<4x4096xf32, #tpu.memory_space<hbm>>
    %dma_start3A_820 = arith.constant 0 : i32
    %dma_start3A_821 = tpu.memref_slice %arg2[%add3A_817, %dma_start3A_820] : memref<4096x4096xf32, #tpu.memory_space<hbm>> -> memref<4x4096xf32, #tpu.memory_space<hbm>>
    tpu.enqueue_dma source(%dma_start3A_821 : memref<4x4096xf32, #tpu.memory_space<hbm>>) target(%arg7 : memref<4x4096xf32, #tpu.memory_space<vmem>>) target_semaphore(%arg13 : memref<!tpu.dma_semaphore, #tpu.memory_space<semaphore_mem>>)
    %add3A_822 = arith.constant 112 : i32
    %add3A_823 = arith.addi %mul3A_2, %add3A_822 : i32
    %dma_wait3A_824 = arith.constant 0 : i32
    %dma_wait3A_825 = tpu.memref_slice %arg2[%add3A_823, %dma_wait3A_824] : memref<4096x4096xf32, #tpu.memory_space<hbm>> -> memref<4x4096xf32, #tpu.memory_space<hbm>>
    %dma_wait3A_826 = arith.constant 0 : i32
    %dma_wait3A_827 = tpu.memref_slice %arg2[%add3A_823, %dma_wait3A_826] : memref<4096x4096xf32, #tpu.memory_space<hbm>> -> memref<4x4096xf32, #tpu.memory_space<hbm>>
    tpu.wait_dma2 semaphore(%arg14 : memref<!tpu.dma_semaphore, #tpu.memory_space<semaphore_mem>>) src(%dma_wait3A_827 : memref<4x4096xf32, #tpu.memory_space<hbm>>) dst(%arg8 : memref<4x4096xf32, #tpu.memory_space<vmem>>)
    %add3A_828 = arith.constant 112 : i32
    %add3A_829 = arith.addi %mul3A_2, %add3A_828 : i32
    %dma_start3A_830 = arith.constant 0 : i32
    %dma_start3A_831 = tpu.memref_slice %arg4[%add3A_829, %dma_start3A_830] : memref<4096x4096xf32, #tpu.memory_space<hbm>> -> memref<4x4096xf32, #tpu.memory_space<hbm>>
    %dma_start3A_832 = arith.constant 0 : i32
    %dma_start3A_833 = tpu.memref_slice %arg4[%add3A_829, %dma_start3A_832] : memref<4096x4096xf32, #tpu.memory_space<hbm>> -> memref<4x4096xf32, #tpu.memory_space<hbm>>
    tpu.enqueue_dma source(%arg8 : memref<4x4096xf32, #tpu.memory_space<vmem>>) target(%dma_start3A_833 : memref<4x4096xf32, #tpu.memory_space<hbm>>) target_semaphore(%arg17 : memref<!tpu.dma_semaphore, #tpu.memory_space<semaphore_mem>>)
    %add3A_834 = arith.constant 112 : i32
    %add3A_835 = arith.addi %mul3A_2, %add3A_834 : i32
    %dma_wait3A_836 = arith.constant 0 : i32
    %dma_wait3A_837 = tpu.memref_slice %arg4[%add3A_835, %dma_wait3A_836] : memref<4096x4096xf32, #tpu.memory_space<hbm>> -> memref<4x4096xf32, #tpu.memory_space<hbm>>
    %dma_wait3A_838 = arith.constant 0 : i32
    %dma_wait3A_839 = tpu.memref_slice %arg4[%add3A_835, %dma_wait3A_838] : memref<4096x4096xf32, #tpu.memory_space<hbm>> -> memref<4x4096xf32, #tpu.memory_space<hbm>>
    tpu.wait_dma2 semaphore(%arg17 : memref<!tpu.dma_semaphore, #tpu.memory_space<semaphore_mem>>) src(%arg8 : memref<4x4096xf32, #tpu.memory_space<vmem>>) dst(%dma_wait3A_839 : memref<4x4096xf32, #tpu.memory_space<hbm>>)
    %add3A_840 = arith.constant 124 : i32
    %add3A_841 = arith.addi %mul3A_2, %add3A_840 : i32
    %dma_start3A_842 = arith.constant 0 : i32
    %dma_start3A_843 = tpu.memref_slice %arg2[%add3A_841, %dma_start3A_842] : memref<4096x4096xf32, #tpu.memory_space<hbm>> -> memref<4x4096xf32, #tpu.memory_space<hbm>>
    %dma_start3A_844 = arith.constant 0 : i32
    %dma_start3A_845 = tpu.memref_slice %arg2[%add3A_841, %dma_start3A_844] : memref<4096x4096xf32, #tpu.memory_space<hbm>> -> memref<4x4096xf32, #tpu.memory_space<hbm>>
    tpu.enqueue_dma source(%dma_start3A_845 : memref<4x4096xf32, #tpu.memory_space<hbm>>) target(%arg8 : memref<4x4096xf32, #tpu.memory_space<vmem>>) target_semaphore(%arg14 : memref<!tpu.dma_semaphore, #tpu.memory_space<semaphore_mem>>)
    %add3A_846 = arith.constant 116 : i32
    %add3A_847 = arith.addi %mul3A_2, %add3A_846 : i32
    %dma_wait3A_848 = arith.constant 0 : i32
    %dma_wait3A_849 = tpu.memref_slice %arg2[%add3A_847, %dma_wait3A_848] : memref<4096x4096xf32, #tpu.memory_space<hbm>> -> memref<4x4096xf32, #tpu.memory_space<hbm>>
    %dma_wait3A_850 = arith.constant 0 : i32
    %dma_wait3A_851 = tpu.memref_slice %arg2[%add3A_847, %dma_wait3A_850] : memref<4096x4096xf32, #tpu.memory_space<hbm>> -> memref<4x4096xf32, #tpu.memory_space<hbm>>
    tpu.wait_dma2 semaphore(%arg15 : memref<!tpu.dma_semaphore, #tpu.memory_space<semaphore_mem>>) src(%dma_wait3A_851 : memref<4x4096xf32, #tpu.memory_space<hbm>>) dst(%arg9 : memref<4x4096xf32, #tpu.memory_space<vmem>>)
    %add3A_852 = arith.constant 116 : i32
    %add3A_853 = arith.addi %mul3A_2, %add3A_852 : i32
    %dma_start3A_854 = arith.constant 0 : i32
    %dma_start3A_855 = tpu.memref_slice %arg4[%add3A_853, %dma_start3A_854] : memref<4096x4096xf32, #tpu.memory_space<hbm>> -> memref<4x4096xf32, #tpu.memory_space<hbm>>
    %dma_start3A_856 = arith.constant 0 : i32
    %dma_start3A_857 = tpu.memref_slice %arg4[%add3A_853, %dma_start3A_856] : memref<4096x4096xf32, #tpu.memory_space<hbm>> -> memref<4x4096xf32, #tpu.memory_space<hbm>>
    tpu.enqueue_dma source(%arg9 : memref<4x4096xf32, #tpu.memory_space<vmem>>) target(%dma_start3A_857 : memref<4x4096xf32, #tpu.memory_space<hbm>>) target_semaphore(%arg18 : memref<!tpu.dma_semaphore, #tpu.memory_space<semaphore_mem>>)
    %add3A_858 = arith.constant 120 : i32
    %add3A_859 = arith.addi %mul3A_2, %add3A_858 : i32
    %dma_wait3A_860 = arith.constant 0 : i32
    %dma_wait3A_861 = tpu.memref_slice %arg2[%add3A_859, %dma_wait3A_860] : memref<4096x4096xf32, #tpu.memory_space<hbm>> -> memref<4x4096xf32, #tpu.memory_space<hbm>>
    %dma_wait3A_862 = arith.constant 0 : i32
    %dma_wait3A_863 = tpu.memref_slice %arg2[%add3A_859, %dma_wait3A_862] : memref<4096x4096xf32, #tpu.memory_space<hbm>> -> memref<4x4096xf32, #tpu.memory_space<hbm>>
    tpu.wait_dma2 semaphore(%arg13 : memref<!tpu.dma_semaphore, #tpu.memory_space<semaphore_mem>>) src(%dma_wait3A_863 : memref<4x4096xf32, #tpu.memory_space<hbm>>) dst(%arg7 : memref<4x4096xf32, #tpu.memory_space<vmem>>)
    %add3A_864 = arith.constant 120 : i32
    %add3A_865 = arith.addi %mul3A_2, %add3A_864 : i32
    %dma_start3A_866 = arith.constant 0 : i32
    %dma_start3A_867 = tpu.memref_slice %arg4[%add3A_865, %dma_start3A_866] : memref<4096x4096xf32, #tpu.memory_space<hbm>> -> memref<4x4096xf32, #tpu.memory_space<hbm>>
    %dma_start3A_868 = arith.constant 0 : i32
    %dma_start3A_869 = tpu.memref_slice %arg4[%add3A_865, %dma_start3A_868] : memref<4096x4096xf32, #tpu.memory_space<hbm>> -> memref<4x4096xf32, #tpu.memory_space<hbm>>
    tpu.enqueue_dma source(%arg7 : memref<4x4096xf32, #tpu.memory_space<vmem>>) target(%dma_start3A_869 : memref<4x4096xf32, #tpu.memory_space<hbm>>) target_semaphore(%arg16 : memref<!tpu.dma_semaphore, #tpu.memory_space<semaphore_mem>>)
    %add3A_870 = arith.constant 124 : i32
    %add3A_871 = arith.addi %mul3A_2, %add3A_870 : i32
    %dma_wait3A_872 = arith.constant 0 : i32
    %dma_wait3A_873 = tpu.memref_slice %arg2[%add3A_871, %dma_wait3A_872] : memref<4096x4096xf32, #tpu.memory_space<hbm>> -> memref<4x4096xf32, #tpu.memory_space<hbm>>
    %dma_wait3A_874 = arith.constant 0 : i32
    %dma_wait3A_875 = tpu.memref_slice %arg2[%add3A_871, %dma_wait3A_874] : memref<4096x4096xf32, #tpu.memory_space<hbm>> -> memref<4x4096xf32, #tpu.memory_space<hbm>>
    tpu.wait_dma2 semaphore(%arg14 : memref<!tpu.dma_semaphore, #tpu.memory_space<semaphore_mem>>) src(%dma_wait3A_875 : memref<4x4096xf32, #tpu.memory_space<hbm>>) dst(%arg8 : memref<4x4096xf32, #tpu.memory_space<vmem>>)
    %add3A_876 = arith.constant 124 : i32
    %add3A_877 = arith.addi %mul3A_2, %add3A_876 : i32
    %dma_start3A_878 = arith.constant 0 : i32
    %dma_start3A_879 = tpu.memref_slice %arg4[%add3A_877, %dma_start3A_878] : memref<4096x4096xf32, #tpu.memory_space<hbm>> -> memref<4x4096xf32, #tpu.memory_space<hbm>>
    %dma_start3A_880 = arith.constant 0 : i32
    %dma_start3A_881 = tpu.memref_slice %arg4[%add3A_877, %dma_start3A_880] : memref<4096x4096xf32, #tpu.memory_space<hbm>> -> memref<4x4096xf32, #tpu.memory_space<hbm>>
    tpu.enqueue_dma source(%arg8 : memref<4x4096xf32, #tpu.memory_space<vmem>>) target(%dma_start3A_881 : memref<4x4096xf32, #tpu.memory_space<hbm>>) target_semaphore(%arg17 : memref<!tpu.dma_semaphore, #tpu.memory_space<semaphore_mem>>)
    %add3A_882 = arith.constant 116 : i32
    %add3A_883 = arith.addi %mul3A_2, %add3A_882 : i32
    %dma_wait3A_884 = arith.constant 0 : i32
    %dma_wait3A_885 = tpu.memref_slice %arg4[%add3A_883, %dma_wait3A_884] : memref<4096x4096xf32, #tpu.memory_space<hbm>> -> memref<4x4096xf32, #tpu.memory_space<hbm>>
    %dma_wait3A_886 = arith.constant 0 : i32
    %dma_wait3A_887 = tpu.memref_slice %arg4[%add3A_883, %dma_wait3A_886] : memref<4096x4096xf32, #tpu.memory_space<hbm>> -> memref<4x4096xf32, #tpu.memory_space<hbm>>
    tpu.wait_dma2 semaphore(%arg18 : memref<!tpu.dma_semaphore, #tpu.memory_space<semaphore_mem>>) src(%arg9 : memref<4x4096xf32, #tpu.memory_space<vmem>>) dst(%dma_wait3A_887 : memref<4x4096xf32, #tpu.memory_space<hbm>>)
    %add3A_888 = arith.constant 120 : i32
    %add3A_889 = arith.addi %mul3A_2, %add3A_888 : i32
    %dma_wait3A_890 = arith.constant 0 : i32
    %dma_wait3A_891 = tpu.memref_slice %arg4[%add3A_889, %dma_wait3A_890] : memref<4096x4096xf32, #tpu.memory_space<hbm>> -> memref<4x4096xf32, #tpu.memory_space<hbm>>
    %dma_wait3A_892 = arith.constant 0 : i32
    %dma_wait3A_893 = tpu.memref_slice %arg4[%add3A_889, %dma_wait3A_892] : memref<4096x4096xf32, #tpu.memory_space<hbm>> -> memref<4x4096xf32, #tpu.memory_space<hbm>>
    tpu.wait_dma2 semaphore(%arg16 : memref<!tpu.dma_semaphore, #tpu.memory_space<semaphore_mem>>) src(%arg7 : memref<4x4096xf32, #tpu.memory_space<vmem>>) dst(%dma_wait3A_893 : memref<4x4096xf32, #tpu.memory_space<hbm>>)
    %add3A_894 = arith.constant 124 : i32
    %add3A_895 = arith.addi %mul3A_2, %add3A_894 : i32
    %dma_wait3A_896 = arith.constant 0 : i32
    %dma_wait3A_897 = tpu.memref_slice %arg4[%add3A_895, %dma_wait3A_896] : memref<4096x4096xf32, #tpu.memory_space<hbm>> -> memref<4x4096xf32, #tpu.memory_space<hbm>>
    %dma_wait3A_898 = arith.constant 0 : i32
    %dma_wait3A_899 = tpu.memref_slice %arg4[%add3A_895, %dma_wait3A_898] : memref<4096x4096xf32, #tpu.memory_space<hbm>> -> memref<4x4096xf32, #tpu.memory_space<hbm>>
    tpu.wait_dma2 semaphore(%arg17 : memref<!tpu.dma_semaphore, #tpu.memory_space<semaphore_mem>>) src(%arg8 : memref<4x4096xf32, #tpu.memory_space<vmem>>) dst(%dma_wait3A_899 : memref<4x4096xf32, #tpu.memory_space<hbm>>)
    return
  }
}

</mosaic_0001>

<sc_bundles>
// kernel: kernel.3.cloned.1.call-start
scs
__scs_entry_jumppad:
0x0: {  	(pc) =	sbr.rel $0x88, $3  }
0x1: {  	(tag) =	ssettag $0x0;
	lr =	simm.s32 $0x1  }
0x2: {  	[smem:$0x3F9F] =	sst lr;
	_ =	strace $0xD0000000  }
0x3: {  	_ = 	snop  }
0x4: {  	_ = 	snop  }
0x5: {  	_ = 	snop  }
0x6: {  	_ = 	snop  }
0x7: {  	_ = 	snop  }
__scs_overlays_trampoline_lowered:
0x8: {  	[smem:$0x3FAE] =	sst s0  }
0x9: {  	[smem:$0x3FAF] =	sst s1  }
0xa: {  	[smem:$0x3FB0] =	sst s2  }
0xb: {  	[smem:$0x3FB1] =	sst s3  }
0xc: {  	[smem:$0x3FB2] =	sst s4  }
0xd: {  	[smem:$0x3FB3] =	sst s5  }
0xe: {  	[smem:$0x3FB4] =	sst s6  }
0xf: {  	[smem:$0x3FB5] =	sst s7  }
0x10: {  	[smem:$0x3FB6] =	sst s8  }
0x11: {  	[smem:$0x3FB7] =	sst s9;
	s0 =	simm.s32 @!p0 $0x0  }
0x12: {  	s1 =	sld [smem:$0x3F9D];
	s0 =	simm.s32 @p0 $0x1  }
0x13: {  	[smem:$0x3FB8] =	sst s0;
	s0 =	simm.s32 @!p1 $0x0  }
0x14: {  	s2 =	sld [smem:$0x3F9C];
	s0 =	simm.s32 @p1 $0x1  }
0x15: {  	[smem:$0x3FB9] =	sst s0;
	s0 =	simm.s32 @!p2 $0x0  }
0x16: {  	s3 =	sld [smem:$0x3FDB];
	s0 =	simm.s32 @p2 $0x1  }
0x17: {  	s4 =	simm.s32 $0x1BF5;
	[smem:$0x3FBB] =	sst s0  }
0x18: {  	s0 =	sld [smem:$0x3F9E];
	_ =	swait.ge [sflag:s4], $0x0  }
0x19: {  	s7 =	sld [smem:$0x3F9F]  }
0x1a: {  	s8 =	sadd.s32 $0xFFFFE003, lr  }
0x1b: {  	s9 =	sadd.s32 $0xFFFFFEF7, lr;
	s5 =	simm.s32 $0xFFFFFFFF;
	p2 =	slt.u32 s8, $0xFFFFF086  }
0x1c: {  	p1 =	slt.u32 s9, $0xF7A;
	s5 =	simm.s32 @!p2 $0x0  }
0x1d: {  	s5 =	simm.s32 @p1 $0x1;
	p0 =	seq.s32 s7, s2  }
0x1e: {  	s7 =	smul.u32 @!p0 $0xF7A, s2;
	p2 =	seq.s32 @!p0 s5, $0x0  }
0x1f: {  	s9 =	smul.u32 $0xF7A, s1;
	s8 =	simm.s32 @!p0 $0x1BF5;
	p2 =	por !p2, p0  }
0x20: {  	[sflag:s8] =	ssyncset.s32 @!p0 $0xFFFFF086;
	s6 =	sadd.s32 @!p0 s3, s7;
	s7 =	simm.s32 @!p0 $0x108  }
0x21: {  	s3 =	sadd.s32 s3, s9;
	s6 =	sadd.s32 @!p0 $0x88, s6;
	s7 =	simm.s32 @p2 $0x1082  }
0x22: {  	[simem:s7], [sflag:s8] =	dma.local @!p0 [hbm:s6], $0xF7A  }
0x23: {  	s9 =	sor.u32 $0xD0000000, s2;
	s6 =	simm.s32 $0x108;
	_ =	swait.ge @!p0 [sflag:s8], $0x0  }
0x24: {  	s3 =	sadd.s32 $0x88, s3;
	s6 =	simm.s32 @!p1 $0x1082;
	[sflag:s4] =	ssyncset.s32 $0xFFFFF086  }
0x25: {  	[simem:s6], [sflag:s4] =	dma.local [hbm:s3], $0xF7A  }
0x26: {  	[smem:$0x3F9F] =	sst s1;
	(tag) =	ssettag s2;
	_ =	strace s9  }
0x27: {  	s1 =	sld [smem:$0x3FAF]  }
0x28: {  	s2 =	sld [smem:$0x3FB0]  }
0x29: {  	s4 =	sld [smem:$0x3FB2]  }
0x2a: {  	p0 =	seq.s32 s5, $0x0;
	s5 =	sld [smem:$0x3FB3]  }
0x2b: {  	s6 =	sld [smem:$0x3FB4]  }
0x2c: {  	s7 =	sld [smem:$0x3FB5]  }
0x2d: {  	s3 =	simm.s32 $0x108;
	s8 =	sld [smem:$0x3FB6]  }
0x2e: {  	s3 =	simm.s32 @!p0 $0x1082;
	s9 =	sld [smem:$0x3FB7]  }
0x2f: {  	lr =	sadd.s32 s0, s3;
	s0 =	sld [smem:$0x3FAE]  }
0x30: {  	s3 =	sld [smem:$0x3FB1]  }
0x31: {  	[smem:$0x3FBA] =	sst s10  }
0x32: {  	s10 =	sld [smem:$0x3FB8];
	_ =	sdelay $0x3  }
0x33: {  	p0 =	seq.s32 s10, $0x1;
	s10 =	sld [smem:$0x3FBA];
	_ =	sdelay $0x3  }
0x34: {  	[smem:$0x3FBA] =	sst s10  }
0x35: {  	s10 =	sld [smem:$0x3FB9];
	_ =	sdelay $0x3  }
0x36: {  	p1 =	seq.s32 s10, $0x1;
	s10 =	sld [smem:$0x3FBA];
	_ =	sdelay $0x3  }
0x37: {  	[smem:$0x3FBA] =	sst s10  }
0x38: {  	s10 =	sld [smem:$0x3FBB]  }
0x39: {  	_ = 	snop;
	(pc) =	sbr.ind lr, $3  }
0x3a: {  	_ = 	snop  }
0x3b: {  	_ = 	snop  }
0x3c: {  	p2 =	seq.s32 s10, $0x1;
	s10 =	sld [smem:$0x3FBA]  }
0x3d: {  	_ =	shalt  }
0x3e: {  	_ =	shalt  }
0x3f: {  	_ =	shalt  }
0x40: {  	_ =	shalt  }
0x41: {  	_ =	shalt  }
0x42: {  	_ =	shalt  }
0x43: {  	_ =	shalt  }
0x44: {  	_ =	shalt  }
0x45: {  	_ =	shalt  }
0x46: {  	_ =	shalt  }
0x47: {  	_ =	shalt  }
0x48: {  	_ =	shalt  }
0x49: {  	_ =	shalt  }
0x4a: {  	_ =	shalt  }
0x4b: {  	_ =	shalt  }
0x4c: {  	_ =	shalt  }
0x4d: {  	_ =	shalt  }
0x4e: {  	_ =	shalt  }
0x4f: {  	_ =	shalt  }
0x50: {  	_ =	shalt  }
0x51: {  	_ =	shalt  }
0x52: {  	_ =	shalt  }
0x53: {  	_ =	shalt  }
0x54: {  	_ =	shalt  }
0x55: {  	_ =	shalt  }
0x56: {  	_ =	shalt  }
0x57: {  	_ =	shalt  }
0x58: {  	_ =	shalt  }
0x59: {  	_ =	shalt  }
0x5a: {  	_ =	shalt  }
0x5b: {  	_ =	shalt  }
0x5c: {  	_ =	shalt  }
0x5d: {  	_ =	shalt  }
0x5e: {  	_ =	shalt  }
0x5f: {  	_ =	shalt  }
0x60: {  	_ =	shalt  }
0x61: {  	_ =	shalt  }
0x62: {  	_ =	shalt  }
0x63: {  	_ =	shalt  }
0x64: {  	_ =	shalt  }
0x65: {  	_ =	shalt  }
0x66: {  	_ =	shalt  }
0x67: {  	_ =	shalt  }
0x68: {  	_ =	shalt  }
0x69: {  	_ =	shalt  }
0x6a: {  	_ =	shalt  }
0x6b: {  	_ =	shalt  }
0x6c: {  	_ =	shalt  }
0x6d: {  	_ =	shalt  }
0x6e: {  	_ =	shalt  }
0x6f: {  	_ =	shalt  }
0x70: {  	_ =	shalt  }
0x71: {  	_ =	shalt  }
0x72: {  	_ =	shalt  }
0x73: {  	_ =	shalt  }
0x74: {  	_ =	shalt  }
0x75: {  	_ =	shalt  }
0x76: {  	_ =	shalt  }
0x77: {  	_ =	shalt  }
0x78: {  	_ =	shalt  }
0x79: {  	_ =	shalt  }
0x7a: {  	_ =	shalt  }
0x7b: {  	_ =	shalt  }
0x7c: {  	_ =	shalt  }
0x7d: {  	_ =	shalt  }
0x7e: {  	_ =	shalt  }
0x7f: {  	_ =	shalt  }
0x80: {  	_ =	shalt  }
0x81: {  	_ =	shalt  }
0x82: {  	_ =	shalt  }
0x83: {  	_ =	shalt  }
0x84: {  	_ =	shalt  }
0x85: {  	_ =	shalt  }
0x86: {  	_ =	shalt  }
0x87: {  	_ =	shalt  }
.Lfunc_end0:
.L_simem_size_0:
called_computation_lowered:
.L_overlay_start_0:
0x88: {  	s2 =	sld [smem:$0x3FD9]  }
0x89: {  	s3 =	sld [smem:$0x3FFE];
	_ =	sdelay $0x1  }
0x8a: {  	s1 =	srdreg.scid  }
0x8b: {  	s0 =	sand.u32 $0x1, s1  }
0x8c: {  	s18 =	sshll.u32 s0, $0xA;
	s2 =	sadd.s32 s3, s2  }
0x8d: {  	s2 =	sadd.s32 s2, s18  }
0x8e: {  	[smem:$0x3FC6] =	sst s2  }
0x8f: {  	_ = 	snop  }
0x90: {  	s2 =	sld [smem:$0x3FC9]  }
0x91: {  	s19 =	sld [smem:$0x3FC8]  }
0x92: {  	s4 =	sld [smem:$0x3FD0];
	(tm) =	ssettm $0x1  }
0x93: {  	s5 =	sld [smem:$0x3FFB];
	_ =	sdelay $0x3  }
0x94: {  	_ =	strace s5  }
0x95: {  	s5 =	sld [smem:$0x3FFC];
	_ =	sdelay $0x3  }
0x96: {  	_ =	strace s5  }
0x97: {  	s5 =	sld [smem:$0x3FFD];
	_ =	sdelay $0x3  }
0x98: {  	_ =	strace s5  }
0x99: {  	_ =	strace $0x8FFFFFFF  }
0x9a: {  	s20 =	sld [smem:$0x3FDB];
	_ =	sdelay $0x1  }
0x9b: {  	s6 =	simm.s32 $_scs_section_size  }
0x9c: {  	s7 =	simm.s32 $_size__tile_overlayer_lowered;
	s8 =	simm.s32 $_tile_overlayer_lowered  }
0x9d: {  	s23 =	simm.s32 $0x1BFF;
	s22 =	sshll.u32 s8, $0x1;
	s5 =	sadd.s32 s6, s20  }
0x9e: {  	s9 =	simm.s32 $0x0;
	s21 =	sshll.u32 s7, $0x1;
	s7 =	sadd.s32 s22, s5  }
0x9f: {  	[timem:s9], [sflag:s23] =	dma.local [hbm:s7], s21  }
0xa0: {  	_ =	swait.ge [sflag:s23], s21  }
0xa1: {  	s6 =	ssub.s32 $0x0, s21;
	[sflag:s23] =	ssyncset.done $0x0  }
0xa2: {  	[sflag:s23] =	ssyncadd.s32 s6;
	_ =	sdelay $0x1  }
0xa3: {  	s24 =	simm.s32 $0x1B8B  }
0xa4: {  	_ =	swait.ge [sflag:s24], $0x1  }
0xa5: {  	[sflag:s24] =	ssyncset.done $0x0  }
0xa6: {  	s25 =	simm.s32 $0x1B8E;
	[sflag:s24] =	ssyncadd.s32 $0xFFFFFFFF  }
0xa7: {  	s26 =	simm.s32 $execute0_lowered;
	[smem:$0x3FD2] =	sst s25  }
0xa8: {  	s6 =	sshll.u32 s26, $0x1;
	_ =	strace $0x80000046;
	[dreg:$0x1] =	wrdreg $0xFFFFFFFF  }
0xa9: {  	s28 =	simm.s32 $_size_execute0_lowered;
	s5 =	sadd.s32 s5, s6;
	[dreg:$0x0] =	wrdreg $0x0  }
0xaa: {  	s6 =	sshll.u32 s28, $0x1;
	[dreg:$0x2] =	wrdreg s5  }
0xab: {  	[dreg:$0x3] =	wrdreg s6  }
0xac: {  	[dreg:$0x4] =	wrdreg $0xC0  }
0xad: {  	_ =	task [dreg:s9], $0x5FFFF  }
0xae: {  	[dreg:$0x1] =	wrdreg $0xFFFFFFFF  }
0xaf: {  	[dreg:$0x0] =	wrdreg $0x60  }
0xb0: {  	[dreg:$0x2] =	wrdreg s2  }
0xb1: {  	[dreg:$0x3] =	wrdreg s19  }
0xb2: {  	[dreg:$0x4] =	wrdreg s4  }
0xb3: {  	[dreg:$0x5] =	wrdreg $0x9  }
0xb4: {  	_ =	task.clear_ibuf [dreg:s9], $0x6FFFF;
	_ =	strace $0x90000046  }
0xb5: {  	s29 =	simm.s32 $0x9;
	_ =	strace $0x80000048  }
0xb6: {  	_ =	swait.ge [sflag:s29], $0x1  }
0xb7: {  	[sflag:s29] =	ssyncadd.s32 $0xFFFFFFFF  }
0xb8: {  	_ =	strace $0x90000048  }
0xb9: {  	_ =	sfence  }
0xba: {  	s30 =	sld [smem:$0x0];
	_ =	sdelay $0x2  }
0xbb: {  	s31 =	sshll.u32 s1, $0xD;
	s1 =	sshrl.u32 s1, $0x2  }
0xbc: {  	s3 =	sand.u32 $0x4000, s31;
	s1 =	sadd.s32 s1, s30  }
0xbd: {  	s0 =	sor.u32 s3, s0;
	s1 =	sshll.u32 s1, $0x11  }
0xbe: {  	s0 =	sor.u32 s1, s0  }
0xbf: {  	s0 =	sadd.s32 $0x8F2B, s0  }
0xc0: {  	[sflag:s0] =	ssyncadd.remote.s32 $0x1  }
0xc1: {  	_ =	sfence.sel $0xFFFF  }
0xc2: {  	[dreg:$0x0] =	wrdreg $0xFFFFFFFF;
	(pc) =	sbr.abs _section_cstart, $3  }
0xc3: {  	[dreg:$0x1] =	wrdreg $0xFFFFFFFF  }
0xc4: {  	_ =	task.clear_ibuf [dreg:s9], $0x2FFFF;
	_ =	strace $0x9FFFFFFF  }
0xc5: {  	(tm) =	ssettm $0x7FFFFFFF  }
tec
execute0_lowered:
.L_overlay_start_1:
0x0: {  	(tag) =	ssettag $0x1  }
0x1: {  	s1 =	srdreg.scid  }
0x2: {  	s0 =	stileid.u32;
	s29 =	sand.u32 $0x1, s1  }
0x3: {  	s28 =	rddreg [dreg:$0x0];
	s4 =	sshll.u32 s0, $0x8;
	s5 =	sshll.u32 s29, $0x7  }
0x4: {  	s3 =	rddreg [dreg:$0x1];
	s4 =	sor.u32 s5, s4  }
0x5: {  	s2 =	rddreg [dreg:$0x2];
	s0 =	simm.s32 $0x0;
	s5 =	sshrl.u32 s4, $0x3  }
0x6: {  	[smem:$0x7FF] =	sst s0;
	s30 =	sshll.u32 s4, $0x9;
	s3 =	sadd.s32 s3, s5  }
0x7: {  	_ =	strace $0x80000047;
	s10 =	sadd.s32 s28, s30;
	[dreg:$0x4] =	wrdreg s3  }
0x8: {  	s4 =	sor.u32 $0x40, s30;
	s14 =	sadd.s32 s2, s30;
	[dreg:$0x5] =	wrdreg s10  }
0x9: {  	s12 =	sor.u32 $0x1000, s30;
	s11 =	sadd.s32 s28, s4;
	[dreg:$0x8] =	wrdreg s14  }
0xa: {  	s6 =	sor.u32 $0x1040, s30;
	s13 =	sadd.s32 s28, s12;
	[dreg:$0x6] =	wrdreg s11  }
0xb: {  	s15 =	sadd.s32 s28, s6;
	[dreg:$0x7] =	wrdreg s13  }
0xc: {  	s17 =	sor.u32 $0x2000, s30;
	s16 =	sadd.s32 s2, s4;
	[dreg:$0x9] =	wrdreg s15  }
0xd: {  	s18 =	sadd.s32 s28, s17;
	[dreg:$0xa] =	wrdreg s16  }
0xe: {  	s20 =	sor.u32 $0x2040, s30;
	s19 =	sadd.s32 s2, s12;
	[dreg:$0xb] =	wrdreg s18  }
0xf: {  	s21 =	sadd.s32 s28, s20;
	[dreg:$0xc] =	wrdreg s19  }
0x10: {  	s23 =	sor.u32 $0x3000, s30;
	s22 =	sadd.s32 s2, s6;
	[dreg:$0xd] =	wrdreg s21  }
0x11: {  	s24 =	sadd.s32 s28, s23;
	[dreg:$0xe] =	wrdreg s22  }
0x12: {  	s26 =	sor.u32 $0x3040, s30;
	s25 =	sadd.s32 s2, s17;
	[dreg:$0xf] =	wrdreg s24  }
0x13: {  	s1 =	sadd.s32 s28, s26;
	[dreg:$0x10] =	wrdreg s25  }
0x14: {  	s8 =	sor.u32 $0x4000, s30;
	s7 =	sadd.s32 s2, s20;
	[dreg:$0x11] =	wrdreg s1  }
0x15: {  	s9 =	sadd.s32 s28, s8;
	[dreg:$0x12] =	wrdreg s7  }
0x16: {  	s10 =	sadd.s32 s2, s23;
	[dreg:$0x13] =	wrdreg s9  }
0x17: {  	s14 =	sor.u32 $0x5000, s30;
	[dreg:$0x14] =	wrdreg s10;
	s13 =	sadd.s32 s2, s26  }
0x18: {  	s15 =	sadd.s32 s28, s14;
	[dreg:$0x16] =	wrdreg s13  }
0x19: {  	s17 =	sor.u32 $0x5040, s30;
	s16 =	sadd.s32 s2, s8;
	[dreg:$0x17] =	wrdreg s15  }
0x1a: {  	s20 =	sor.u32 $0x6000, s30;
	s18 =	sadd.s32 s28, s17;
	[dreg:$0x18] =	wrdreg s16  }
0x1b: {  	s21 =	sadd.s32 s28, s20;
	[dreg:$0x19] =	wrdreg s18  }
0x1c: {  	s23 =	sor.u32 $0x6040, s30;
	s22 =	sadd.s32 s2, s14;
	[dreg:$0x1b] =	wrdreg s21  }
0x1d: {  	s24 =	sadd.s32 s28, s23;
	[dreg:$0x1c] =	wrdreg s22  }
0x1e: {  	s25 =	sadd.s32 s2, s17;
	[dreg:$0x1d] =	wrdreg s24  }
0x1f: {  	s7 =	sadd.s32 s2, s20;
	[dreg:$0x1e] =	wrdreg s25  }
0x20: {  	s11 =	sor.u32 $0x4040, s30;
	s10 =	sadd.s32 s2, s23;
	[smem:$0x7E9] =	sst s7  }
0x21: {  	s14 =	sor.u32 $0x8040, s30;
	s12 =	sadd.s32 s28, s11;
	[smem:$0x7EB] =	sst s10  }
0x22: {  	s15 =	sadd.s32 s28, s14;
	s22 =	sadd.s32 s2, s14;
	s14 =	rddreg [dreg:$0x4]  }
0x23: {  	s26 =	sor.u32 $0x7000, s30;
	s19 =	sadd.s32 s2, s11;
	[dreg:$0x15] =	wrdreg s12  }
0x24: {  	s8 =	sor.u32 $0x7040, s30;
	s1 =	sadd.s32 s28, s26;
	[dreg:$0x1a] =	wrdreg s19  }
0x25: {  	s9 =	sadd.s32 s28, s8;
	[dreg:$0x1f] =	wrdreg s1  }
0x26: {  	s13 =	sadd.s32 s2, s26;
	[smem:$0x7EA] =	sst s9  }
0x27: {  	[smem:$0x7ED] =	sst s13  }
0x28: {  	s17 =	sor.u32 $0x9000, s30;
	s16 =	sadd.s32 s2, s8;
	[smem:$0x7EE] =	sst s15  }
0x29: {  	s20 =	sor.u32 $0x9040, s30;
	s18 =	sadd.s32 s28, s17;
	[smem:$0x7EF] =	sst s16  }
0x2a: {  	s21 =	sadd.s32 s28, s20;
	[smem:$0x7F0] =	sst s18  }
0x2b: {  	s23 =	sor.u32 $0xA000, s30;
	[smem:$0x7F2] =	sst s21  }
0x2c: {  	s24 =	sadd.s32 s28, s23;
	[smem:$0x7F3] =	sst s22  }
0x2d: {  	s25 =	sadd.s32 s2, s17;
	[smem:$0x7F4] =	sst s24  }
0x2e: {  	s7 =	sadd.s32 s2, s20;
	[smem:$0x7F5] =	sst s25  }
0x2f: {  	s11 =	sor.u32 $0x8000, s30;
	s10 =	sadd.s32 s2, s23;
	[smem:$0x7F7] =	sst s7  }
0x30: {  	s12 =	sadd.s32 s28, s11;
	[smem:$0x7F9] =	sst s10  }
0x31: {  	[tilespmem:s0], [sflag:$0x7] =	stream.linear.gather [hbm4b:s14+s0], $0x80, $0x38;
	[tilespmem:$0xC100] =	vst v63  }
0x32: {  	s26 =	sor.u32 $0xA040, s30;
	s19 =	sadd.s32 s2, s11;
	[smem:$0x7EC] =	sst s12  }
0x33: {  	s8 =	sor.u32 $0xB000, s30;
	s1 =	sadd.s32 s28, s26;
	[smem:$0x7F1] =	sst s19  }
0x34: {  	s9 =	sadd.s32 s28, s8;
	[smem:$0x7F6] =	sst s1  }
0x35: {  	s16 =	sor.u32 $0xB040, s30;
	s15 =	sadd.s32 s2, s8;
	[smem:$0x7F8] =	sst s9  }
0x36: {  	s11 =	sadd.s32 s28, s16;
	[smem:$0x7FD] =	sst s15  }
0x37: {  	s18 =	sor.u32 $0xC000, s30;
	s12 =	sadd.s32 s2, s26;
	[smem:$0x7FA] =	sst s11  }
0x38: {  	s13 =	sadd.s32 s28, s18;
	[smem:$0x7FB] =	sst s12  }
0x39: {  	s3 =	simm.s32 $0x7;
	[smem:$0x7FC] =	sst s13  }
0x3a: {  	_ =	swait.ge [sflag:s3], $0x80  }
0x3b: {  	[sflag:s3] =	ssyncset.done $0x0  }
0x3c: {  	[sflag:s3] =	ssyncadd.s32 $0xFFFFFF80  }
0x3d: {  	v0 =	vld [tilespmem:$0x50]  }
0x3e: {  	v1 =	vld [tilespmem:$0x60]  }
0x3f: {  	v2 =	vld [tilespmem:$0x10]  }
0x40: {  	v3 =	vld [tilespmem:$0x0]  }
0x41: {  	v4 =	vld [tilespmem:$0x20]  }
0x42: {  	v5 =	vld [tilespmem:$0x30];
	v0 =	vsub.f32 $0.0e+00, v0  }
0x43: {  	v6 =	vld [tilespmem:$0x40];
	v1 =	vsub.f32 $0.0e+00, v1  }
0x44: {  	v7 =	vld [tilespmem:$0x70];
	v2 =	vsub.f32 $0.0e+00, v2;
	v0 =	vmul.f32 $1.442695020e+00, v0  }
0x45: {  	v3 =	vsub.f32 $0.0e+00, v3;
	v1 =	vmul.f32 $1.442695020e+00, v1  }
0x46: {  	v4 =	vsub.f32 $0.0e+00, v4;
	v38 =	vmul.f32 $1.442695020e+00, v2;
	(erf) = vpow2.f32 v0  }
0x47: {  	v39 =	vsub.f32 $0.0e+00, v5;
	v3 =	vmul.f32 $1.442695020e+00, v3;
	(erf) = vpow2.f32 v1  }
0x48: {  	v41 =	vsub.f32 $0.0e+00, v6;
	v40 =	vmul.f32 $1.442695020e+00, v4;
	(erf) = vpow2.f32 v38  }
0x49: {  	v43 =	vsub.f32 $0.0e+00, v7;
	v42 =	vmul.f32 $1.442695020e+00, v39;
	(erf) = vpow2.f32 v3  }
0x4a: {  	v44 =	vmul.f32 $1.442695020e+00, v41;
	(erf) = vpow2.f32 v40  }
0x4b: {  	v45 =	vmul.f32 $1.442695020e+00, v43;
	(erf) = vpow2.f32 v42  }
0x4c: {  	(erf) = vpow2.f32 v44  }
0x4d: {  	(erf) = vpow2.f32 v45;
	_ =	sdelay $0x1  }
0x4e: {  	v46 =	vpop (erf)  }
0x4f: {  	v0 =	vadd.f32 $1.000000000e+00, v46;
	v47 =	vpop (erf)  }
0x50: {  	v1 =	vadd.f32 $1.000000000e+00, v47;
	v48 =	vpop (erf)  }
0x51: {  	(erf) = vrcp.f32 v0;
	v49 =	vadd.f32 $1.000000000e+00, v48;
	v50 =	vpop (erf)  }
0x52: {  	v2 =	vadd.f32 $1.000000000e+00, v50;
	v51 =	vpop (erf);
	(erf) = vrcp.f32 v1  }
0x53: {  	v52 =	vadd.f32 $1.000000000e+00, v51;
	(erf) = vrcp.f32 v49;
	v53 =	vpop (erf)  }
0x54: {  	v0 =	vadd.f32 $1.000000000e+00, v53;
	(erf) = vrcp.f32 v2;
	v54 =	vpop (erf)  }
0x55: {  	v2 =	vadd.f32 $1.000000000e+00, v54;
	(erf) = vrcp.f32 v52;
	v55 =	vpop (erf)  }
0x56: {  	v1 =	vadd.f32 $1.000000000e+00, v55;
	(erf) = vrcp.f32 v0  }
0x57: {  	(erf) = vrcp.f32 v2  }
0x58: {  	(erf) = vrcp.f32 v1;
	_ =	sdelay $0x1  }
0x59: {  	v56 =	vpop (erf)  }
0x5a: {  	[tilespmem:$0xD0] =	vst v56;
	v57 =	vpop (erf)  }
0x5b: {  	[tilespmem:$0xE0] =	vst v57;
	v58 =	vpop (erf)  }
0x5c: {  	[tilespmem:$0x90] =	vst v58;
	v59 =	vpop (erf)  }
0x5d: {  	[tilespmem:$0x80] =	vst v59;
	v60 =	vpop (erf)  }
0x5e: {  	[tilespmem:$0xA0] =	vst v60;
	v61 =	vpop (erf)  }
0x5f: {  	[tilespmem:$0xB0] =	vst v61;
	v62 =	vpop (erf)  }
0x60: {  	s5 =	simm.s32 $0x400;
	[tilespmem:$0xC0] =	vst v62;
	v63 =	vpop (erf)  }
0x61: {  	s4 =	simm.s32 $0x200;
	s6 =	simm.s32 $0x100;
	s7 =	rddreg [dreg:$0x5];
	[tilespmem:$0xF0] =	vst v63  }
0x62: {  	[tilespmem:s6], [sflag:$0x1] =	stream.strided.gather [hbm4b:s7+s4], $0x4000, s5, s4, $0x38;
	[tilespmem:$0xC100] =	vst v63  }
0x63: {  	s8 =	rddreg [dreg:$0x6];
	s7 =	simm.s32 $0x4100  }
0x64: {  	[tilespmem:s7], [sflag:$0x2] =	stream.strided.gather [hbm4b:s8+s4], $0x4000, s5, s4, $0x38;
	[tilespmem:$0xC100] =	vst v63  }
0x65: {  	s10 =	simm.s32 $0x1;
	s9 =	simm.s32 $0x8100;
	s11 =	rddreg [dreg:$0x7]  }
0x66: {  	[tilespmem:s9], [sflag:$0x3] =	stream.strided.gather [hbm4b:s11+s4], $0x4000, s5, s4, $0x38;
	[tilespmem:$0xC100] =	vst v63  }
0x67: {  	_ =	swait.ge [sflag:s10], $0x4000  }
0x68: {  	[sflag:s10] =	ssyncset.done $0x0  }
0x69: {  	s8 =	simm.s32 $0x4;
	s17 =	rddreg [dreg:$0x8];
	[sflag:s10] =	ssyncadd.s32 $0xFFFFC000  }
0x6a: {  	[hbm4b:s17+s4] =	stream.strided.scatter [tilespmem:s6], [sflag:$0x4], $0x4000, s5, s4, $0x38;
	[tilespmem:$0xC100] =	vst v63  }
0x6b: {  	_ =	swait.ge [sflag:s8], $0x4000  }
0x6c: {  	[sflag:s8] =	ssyncset.done $0x0  }
0x6d: {  	s12 =	simm.s32 $0x2;
	s19 =	rddreg [dreg:$0x9];
	[sflag:s8] =	ssyncadd.s32 $0xFFFFC000  }
0x6e: {  	[tilespmem:s6], [sflag:$0x1] =	stream.strided.gather [hbm4b:s19+s4], $0x4000, s5, s4, $0x38;
	[tilespmem:$0xC100] =	vst v63  }
0x6f: {  	_ =	swait.ge [sflag:s12], $0x4000  }
0x70: {  	[sflag:s12] =	ssyncset.done $0x0  }
0x71: {  	s11 =	simm.s32 $0x5;
	s13 =	rddreg [dreg:$0xa];
	[sflag:s12] =	ssyncadd.s32 $0xFFFFC000  }
0x72: {  	[hbm4b:s13+s4] =	stream.strided.scatter [tilespmem:s7], [sflag:$0x5], $0x4000, s5, s4, $0x38;
	[tilespmem:$0xC100] =	vst v63  }
0x73: {  	_ =	swait.ge [sflag:s11], $0x4000  }
0x74: {  	[sflag:s11] =	ssyncset.done $0x0  }
0x75: {  	s13 =	simm.s32 $0x3;
	s14 =	rddreg [dreg:$0xb];
	[sflag:s11] =	ssyncadd.s32 $0xFFFFC000  }
0x76: {  	[tilespmem:s7], [sflag:$0x2] =	stream.strided.gather [hbm4b:s14+s4], $0x4000, s5, s4, $0x38;
	[tilespmem:$0xC100] =	vst v63  }
0x77: {  	_ =	swait.ge [sflag:s13], $0x4000  }
0x78: {  	[sflag:s13] =	ssyncset.done $0x0  }
0x79: {  	s14 =	simm.s32 $0x6;
	s15 =	rddreg [dreg:$0xc];
	[sflag:s13] =	ssyncadd.s32 $0xFFFFC000  }
0x7a: {  	[hbm4b:s15+s4] =	stream.strided.scatter [tilespmem:s9], [sflag:$0x6], $0x4000, s5, s4, $0x38;
	[tilespmem:$0xC100] =	vst v63  }
0x7b: {  	_ =	swait.ge [sflag:s14], $0x4000  }
0x7c: {  	[sflag:s14] =	ssyncset.done $0x0  }
0x7d: {  	s20 =	rddreg [dreg:$0xd];
	[sflag:s14] =	ssyncadd.s32 $0xFFFFC000  }
0x7e: {  	[tilespmem:s9], [sflag:$0x3] =	stream.strided.gather [hbm4b:s20+s4], $0x4000, s5, s4, $0x38;
	[tilespmem:$0xC100] =	vst v63  }
0x7f: {  	_ =	swait.ge [sflag:s10], $0x4000  }
0x80: {  	[sflag:s10] =	ssyncset.done $0x0  }
0x81: {  	s21 =	rddreg [dreg:$0xe];
	[sflag:s10] =	ssyncadd.s32 $0xFFFFC000  }
0x82: {  	[hbm4b:s21+s4] =	stream.strided.scatter [tilespmem:s6], [sflag:$0x4], $0x4000, s5, s4, $0x38;
	[tilespmem:$0xC100] =	vst v63  }
0x83: {  	_ =	swait.ge [sflag:s8], $0x4000  }
0x84: {  	[sflag:s8] =	ssyncset.done $0x0  }
0x85: {  	s22 =	rddreg [dreg:$0xf];
	[sflag:s8] =	ssyncadd.s32 $0xFFFFC000  }
0x86: {  	[tilespmem:s6], [sflag:$0x1] =	stream.strided.gather [hbm4b:s22+s4], $0x4000, s5, s4, $0x38;
	[tilespmem:$0xC100] =	vst v63  }
0x87: {  	_ =	swait.ge [sflag:s12], $0x4000  }
0x88: {  	[sflag:s12] =	ssyncset.done $0x0  }
0x89: {  	s23 =	rddreg [dreg:$0x10];
	[sflag:s12] =	ssyncadd.s32 $0xFFFFC000  }
0x8a: {  	[hbm4b:s23+s4] =	stream.strided.scatter [tilespmem:s7], [sflag:$0x5], $0x4000, s5, s4, $0x38;
	[tilespmem:$0xC100] =	vst v63  }
0x8b: {  	_ =	swait.ge [sflag:s11], $0x4000  }
0x8c: {  	[sflag:s11] =	ssyncset.done $0x0  }
0x8d: {  	s24 =	rddreg [dreg:$0x11];
	[sflag:s11] =	ssyncadd.s32 $0xFFFFC000  }
0x8e: {  	[tilespmem:s7], [sflag:$0x2] =	stream.strided.gather [hbm4b:s24+s4], $0x4000, s5, s4, $0x38;
	[tilespmem:$0xC100] =	vst v63  }
0x8f: {  	_ =	swait.ge [sflag:s13], $0x4000  }
0x90: {  	[sflag:s13] =	ssyncset.done $0x0  }
0x91: {  	s25 =	rddreg [dreg:$0x12];
	[sflag:s13] =	ssyncadd.s32 $0xFFFFC000  }
0x92: {  	[hbm4b:s25+s4] =	stream.strided.scatter [tilespmem:s9], [sflag:$0x6], $0x4000, s5, s4, $0x38;
	[tilespmem:$0xC100] =	vst v63  }
0x93: {  	_ =	swait.ge [sflag:s14], $0x4000  }
0x94: {  	[sflag:s14] =	ssyncset.done $0x0  }
0x95: {  	s26 =	rddreg [dreg:$0x13];
	[sflag:s14] =	ssyncadd.s32 $0xFFFFC000  }
0x96: {  	[tilespmem:s9], [sflag:$0x3] =	stream.strided.gather [hbm4b:s26+s4], $0x4000, s5, s4, $0x38;
	[tilespmem:$0xC100] =	vst v63  }
0x97: {  	_ =	swait.ge [sflag:s10], $0x4000  }
0x98: {  	[sflag:s10] =	ssyncset.done $0x0  }
0x99: {  	s0 =	rddreg [dreg:$0x14];
	[sflag:s10] =	ssyncadd.s32 $0xFFFFC000  }
0x9a: {  	[hbm4b:s0+s4] =	stream.strided.scatter [tilespmem:s6], [sflag:$0x4], $0x4000, s5, s4, $0x38;
	[tilespmem:$0xC100] =	vst v63  }
0x9b: {  	_ =	swait.ge [sflag:s8], $0x4000  }
0x9c: {  	[sflag:s8] =	ssyncset.done $0x0  }
0x9d: {  	s1 =	rddreg [dreg:$0x15];
	[sflag:s8] =	ssyncadd.s32 $0xFFFFC000  }
0x9e: {  	[tilespmem:s6], [sflag:$0x1] =	stream.strided.gather [hbm4b:s1+s4], $0x4000, s5, s4, $0x38;
	[tilespmem:$0xC100] =	vst v63  }
0x9f: {  	_ =	swait.ge [sflag:s12], $0x4000  }
0xa0: {  	[sflag:s12] =	ssyncset.done $0x0  }
0xa1: {  	s17 =	rddreg [dreg:$0x16];
	[sflag:s12] =	ssyncadd.s32 $0xFFFFC000  }
0xa2: {  	[hbm4b:s17+s4] =	stream.strided.scatter [tilespmem:s7], [sflag:$0x5], $0x4000, s5, s4, $0x38;
	[tilespmem:$0xC100] =	vst v63  }
0xa3: {  	_ =	swait.ge [sflag:s11], $0x4000  }
0xa4: {  	[sflag:s11] =	ssyncset.done $0x0  }
0xa5: {  	s19 =	rddreg [dreg:$0x17];
	[sflag:s11] =	ssyncadd.s32 $0xFFFFC000  }
0xa6: {  	[tilespmem:s7], [sflag:$0x2] =	stream.strided.gather [hbm4b:s19+s4], $0x4000, s5, s4, $0x38;
	[tilespmem:$0xC100] =	vst v63  }
0xa7: {  	_ =	swait.ge [sflag:s13], $0x4000  }
0xa8: {  	[sflag:s13] =	ssyncset.done $0x0  }
0xa9: {  	s20 =	rddreg [dreg:$0x18];
	[sflag:s13] =	ssyncadd.s32 $0xFFFFC000  }
0xaa: {  	[hbm4b:s20+s4] =	stream.strided.scatter [tilespmem:s9], [sflag:$0x6], $0x4000, s5, s4, $0x38;
	[tilespmem:$0xC100] =	vst v63  }
0xab: {  	_ =	swait.ge [sflag:s14], $0x4000  }
0xac: {  	[sflag:s14] =	ssyncset.done $0x0  }
0xad: {  	s21 =	rddreg [dreg:$0x19];
	[sflag:s14] =	ssyncadd.s32 $0xFFFFC000  }
0xae: {  	[tilespmem:s9], [sflag:$0x3] =	stream.strided.gather [hbm4b:s21+s4], $0x4000, s5, s4, $0x38;
	[tilespmem:$0xC100] =	vst v63  }
0xaf: {  	_ =	swait.ge [sflag:s10], $0x4000  }
0xb0: {  	[sflag:s10] =	ssyncset.done $0x0  }
0xb1: {  	s22 =	rddreg [dreg:$0x1a];
	[sflag:s10] =	ssyncadd.s32 $0xFFFFC000  }
0xb2: {  	[hbm4b:s22+s4] =	stream.strided.scatter [tilespmem:s6], [sflag:$0x4], $0x4000, s5, s4, $0x38;
	[tilespmem:$0xC100] =	vst v63  }
0xb3: {  	_ =	swait.ge [sflag:s8], $0x4000  }
0xb4: {  	[sflag:s8] =	ssyncset.done $0x0  }
0xb5: {  	s23 =	rddreg [dreg:$0x1b];
	[sflag:s8] =	ssyncadd.s32 $0xFFFFC000  }
0xb6: {  	[tilespmem:s6], [sflag:$0x1] =	stream.strided.gather [hbm4b:s23+s4], $0x4000, s5, s4, $0x38;
	[tilespmem:$0xC100] =	vst v63  }
0xb7: {  	_ =	swait.ge [sflag:s12], $0x4000  }
0xb8: {  	[sflag:s12] =	ssyncset.done $0x0  }
0xb9: {  	s24 =	rddreg [dreg:$0x1c];
	[sflag:s12] =	ssyncadd.s32 $0xFFFFC000  }
0xba: {  	[hbm4b:s24+s4] =	stream.strided.scatter [tilespmem:s7], [sflag:$0x5], $0x4000, s5, s4, $0x38;
	[tilespmem:$0xC100] =	vst v63  }
0xbb: {  	_ =	swait.ge [sflag:s11], $0x4000  }
0xbc: {  	[sflag:s11] =	ssyncset.done $0x0  }
0xbd: {  	s25 =	rddreg [dreg:$0x1d];
	[sflag:s11] =	ssyncadd.s32 $0xFFFFC000  }
0xbe: {  	[tilespmem:s7], [sflag:$0x2] =	stream.strided.gather [hbm4b:s25+s4], $0x4000, s5, s4, $0x38;
	[tilespmem:$0xC100] =	vst v63  }
0xbf: {  	_ =	swait.ge [sflag:s13], $0x4000  }
0xc0: {  	[sflag:s13] =	ssyncset.done $0x0  }
0xc1: {  	s26 =	rddreg [dreg:$0x1e];
	[sflag:s13] =	ssyncadd.s32 $0xFFFFC000  }
0xc2: {  	[hbm4b:s26+s4] =	stream.strided.scatter [tilespmem:s9], [sflag:$0x6], $0x4000, s5, s4, $0x38;
	[tilespmem:$0xC100] =	vst v63  }
0xc3: {  	_ =	swait.ge [sflag:s14], $0x4000  }
0xc4: {  	[sflag:s14] =	ssyncset.done $0x0  }
0xc5: {  	s0 =	rddreg [dreg:$0x1f];
	[sflag:s14] =	ssyncadd.s32 $0xFFFFC000  }
0xc6: {  	[tilespmem:s9], [sflag:$0x3] =	stream.strided.gather [hbm4b:s0+s4], $0x4000, s5, s4, $0x38;
	[tilespmem:$0xC100] =	vst v63  }
0xc7: {  	_ =	swait.ge [sflag:s10], $0x4000  }
0xc8: {  	s1 =	sld [smem:$0x7E9]  }
0xc9: {  	[sflag:s10] =	ssyncset.done $0x0  }
0xca: {  	[sflag:s10] =	ssyncadd.s32 $0xFFFFC000  }
0xcb: {  	[hbm4b:s1+s4] =	stream.strided.scatter [tilespmem:s6], [sflag:$0x4], $0x4000, s5, s4, $0x38;
	[tilespmem:$0xC100] =	vst v63  }
0xcc: {  	_ =	swait.ge [sflag:s8], $0x4000  }
0xcd: {  	s17 =	sld [smem:$0x7EA]  }
0xce: {  	[sflag:s8] =	ssyncset.done $0x0  }
0xcf: {  	[sflag:s8] =	ssyncadd.s32 $0xFFFFC000  }
0xd0: {  	[tilespmem:s6], [sflag:$0x1] =	stream.strided.gather [hbm4b:s17+s4], $0x4000, s5, s4, $0x38;
	[tilespmem:$0xC100] =	vst v63  }
0xd1: {  	_ =	swait.ge [sflag:s12], $0x4000  }
0xd2: {  	s19 =	sld [smem:$0x7EB]  }
0xd3: {  	[sflag:s12] =	ssyncset.done $0x0  }
0xd4: {  	[sflag:s12] =	ssyncadd.s32 $0xFFFFC000  }
0xd5: {  	[hbm4b:s19+s4] =	stream.strided.scatter [tilespmem:s7], [sflag:$0x5], $0x4000, s5, s4, $0x38;
	[tilespmem:$0xC100] =	vst v63  }
0xd6: {  	_ =	swait.ge [sflag:s11], $0x4000  }
0xd7: {  	s20 =	sld [smem:$0x7EC]  }
0xd8: {  	[sflag:s11] =	ssyncset.done $0x0  }
0xd9: {  	[sflag:s11] =	ssyncadd.s32 $0xFFFFC000  }
0xda: {  	[tilespmem:s7], [sflag:$0x2] =	stream.strided.gather [hbm4b:s20+s4], $0x4000, s5, s4, $0x38;
	[tilespmem:$0xC100] =	vst v63  }
0xdb: {  	_ =	swait.ge [sflag:s13], $0x4000  }
0xdc: {  	s21 =	sld [smem:$0x7ED]  }
0xdd: {  	[sflag:s13] =	ssyncset.done $0x0  }
0xde: {  	[sflag:s13] =	ssyncadd.s32 $0xFFFFC000  }
0xdf: {  	[hbm4b:s21+s4] =	stream.strided.scatter [tilespmem:s9], [sflag:$0x6], $0x4000, s5, s4, $0x38;
	[tilespmem:$0xC100] =	vst v63  }
0xe0: {  	_ =	swait.ge [sflag:s14], $0x4000  }
0xe1: {  	s22 =	sld [smem:$0x7EE]  }
0xe2: {  	[sflag:s14] =	ssyncset.done $0x0  }
0xe3: {  	[sflag:s14] =	ssyncadd.s32 $0xFFFFC000  }
0xe4: {  	[tilespmem:s9], [sflag:$0x3] =	stream.strided.gather [hbm4b:s22+s4], $0x4000, s5, s4, $0x38;
	[tilespmem:$0xC100] =	vst v63  }
0xe5: {  	_ =	swait.ge [sflag:s10], $0x4000  }
0xe6: {  	s23 =	sld [smem:$0x7EF]  }
0xe7: {  	[sflag:s10] =	ssyncset.done $0x0  }
0xe8: {  	[sflag:s10] =	ssyncadd.s32 $0xFFFFC000  }
0xe9: {  	[hbm4b:s23+s4] =	stream.strided.scatter [tilespmem:s6], [sflag:$0x4], $0x4000, s5, s4, $0x38;
	[tilespmem:$0xC100] =	vst v63  }
0xea: {  	_ =	swait.ge [sflag:s8], $0x4000  }
0xeb: {  	s24 =	sld [smem:$0x7F0]  }
0xec: {  	[sflag:s8] =	ssyncset.done $0x0  }
0xed: {  	[sflag:s8] =	ssyncadd.s32 $0xFFFFC000  }
0xee: {  	[tilespmem:s6], [sflag:$0x1] =	stream.strided.gather [hbm4b:s24+s4], $0x4000, s5, s4, $0x38;
	[tilespmem:$0xC100] =	vst v63  }
0xef: {  	_ =	swait.ge [sflag:s12], $0x4000  }
0xf0: {  	s25 =	sld [smem:$0x7F1]  }
0xf1: {  	[sflag:s12] =	ssyncset.done $0x0  }
0xf2: {  	[sflag:s12] =	ssyncadd.s32 $0xFFFFC000  }
0xf3: {  	[hbm4b:s25+s4] =	stream.strided.scatter [tilespmem:s7], [sflag:$0x5], $0x4000, s5, s4, $0x38;
	[tilespmem:$0xC100] =	vst v63  }
0xf4: {  	_ =	swait.ge [sflag:s11], $0x4000  }
0xf5: {  	s26 =	sld [smem:$0x7F2]  }
0xf6: {  	[sflag:s11] =	ssyncset.done $0x0  }
0xf7: {  	[sflag:s11] =	ssyncadd.s32 $0xFFFFC000  }
0xf8: {  	[tilespmem:s7], [sflag:$0x2] =	stream.strided.gather [hbm4b:s26+s4], $0x4000, s5, s4, $0x38;
	[tilespmem:$0xC100] =	vst v63  }
0xf9: {  	_ =	swait.ge [sflag:s13], $0x4000  }
0xfa: {  	s0 =	sld [smem:$0x7F3]  }
0xfb: {  	[sflag:s13] =	ssyncset.done $0x0  }
0xfc: {  	[sflag:s13] =	ssyncadd.s32 $0xFFFFC000  }
0xfd: {  	[hbm4b:s0+s4] =	stream.strided.scatter [tilespmem:s9], [sflag:$0x6], $0x4000, s5, s4, $0x38;
	[tilespmem:$0xC100] =	vst v63  }
0xfe: {  	_ =	swait.ge [sflag:s14], $0x4000  }
0xff: {  	s1 =	sld [smem:$0x7F4]  }
0x100: {  	[sflag:s14] =	ssyncset.done $0x0  }
0x101: {  	[sflag:s14] =	ssyncadd.s32 $0xFFFFC000  }
0x102: {  	[tilespmem:s9], [sflag:$0x3] =	stream.strided.gather [hbm4b:s1+s4], $0x4000, s5, s4, $0x38;
	[tilespmem:$0xC100] =	vst v63  }
0x103: {  	_ =	swait.ge [sflag:s10], $0x4000  }
0x104: {  	s17 =	sld [smem:$0x7F5]  }
0x105: {  	[sflag:s10] =	ssyncset.done $0x0  }
0x106: {  	[sflag:s10] =	ssyncadd.s32 $0xFFFFC000  }
0x107: {  	[hbm4b:s17+s4] =	stream.strided.scatter [tilespmem:s6], [sflag:$0x4], $0x4000, s5, s4, $0x38;
	[tilespmem:$0xC100] =	vst v63  }
0x108: {  	_ =	swait.ge [sflag:s8], $0x4000  }
0x109: {  	s19 =	sld [smem:$0x7F6]  }
0x10a: {  	[sflag:s8] =	ssyncset.done $0x0  }
0x10b: {  	[sflag:s8] =	ssyncadd.s32 $0xFFFFC000  }
0x10c: {  	[tilespmem:s6], [sflag:$0x1] =	stream.strided.gather [hbm4b:s19+s4], $0x4000, s5, s4, $0x38;
	[tilespmem:$0xC100] =	vst v63  }
0x10d: {  	_ =	swait.ge [sflag:s12], $0x4000  }
0x10e: {  	s20 =	sld [smem:$0x7F7]  }
0x10f: {  	[sflag:s12] =	ssyncset.done $0x0  }
0x110: {  	[sflag:s12] =	ssyncadd.s32 $0xFFFFC000  }
0x111: {  	[hbm4b:s20+s4] =	stream.strided.scatter [tilespmem:s7], [sflag:$0x5], $0x4000, s5, s4, $0x38;
	[tilespmem:$0xC100] =	vst v63  }
0x112: {  	_ =	swait.ge [sflag:s11], $0x4000  }
0x113: {  	s21 =	sld [smem:$0x7F8]  }
0x114: {  	[sflag:s11] =	ssyncset.done $0x0  }
0x115: {  	[sflag:s11] =	ssyncadd.s32 $0xFFFFC000  }
0x116: {  	[tilespmem:s7], [sflag:$0x2] =	stream.strided.gather [hbm4b:s21+s4], $0x4000, s5, s4, $0x38;
	[tilespmem:$0xC100] =	vst v63  }
0x117: {  	_ =	swait.ge [sflag:s13], $0x4000  }
0x118: {  	s22 =	sld [smem:$0x7F9]  }
0x119: {  	[sflag:s13] =	ssyncset.done $0x0  }
0x11a: {  	[sflag:s13] =	ssyncadd.s32 $0xFFFFC000  }
0x11b: {  	[hbm4b:s22+s4] =	stream.strided.scatter [tilespmem:s9], [sflag:$0x6], $0x4000, s5, s4, $0x38;
	[tilespmem:$0xC100] =	vst v63  }
0x11c: {  	_ =	swait.ge [sflag:s14], $0x4000  }
0x11d: {  	s23 =	sld [smem:$0x7FA]  }
0x11e: {  	[sflag:s14] =	ssyncset.done $0x0  }
0x11f: {  	[sflag:s14] =	ssyncadd.s32 $0xFFFFC000  }
0x120: {  	[tilespmem:s9], [sflag:$0x3] =	stream.strided.gather [hbm4b:s23+s4], $0x4000, s5, s4, $0x38;
	[tilespmem:$0xC100] =	vst v63  }
0x121: {  	_ =	swait.ge [sflag:s10], $0x4000  }
0x122: {  	s24 =	sld [smem:$0x7FB]  }
0x123: {  	[sflag:s10] =	ssyncset.done $0x0  }
0x124: {  	[sflag:s10] =	ssyncadd.s32 $0xFFFFC000  }
0x125: {  	[hbm4b:s24+s4] =	stream.strided.scatter [tilespmem:s6], [sflag:$0x4], $0x4000, s5, s4, $0x38;
	[tilespmem:$0xC100] =	vst v63  }
0x126: {  	_ =	swait.ge [sflag:s8], $0x4000  }
0x127: {  	s25 =	sld [smem:$0x7FC]  }
0x128: {  	[sflag:s8] =	ssyncset.done $0x0  }
0x129: {  	[sflag:s8] =	ssyncadd.s32 $0xFFFFC000  }
0x12a: {  	[tilespmem:s6], [sflag:$0x1] =	stream.strided.gather [hbm4b:s25+s4], $0x4000, s5, s4, $0x38;
	[tilespmem:$0xC100] =	vst v63  }
0x12b: {  	_ =	swait.ge [sflag:s12], $0x4000  }
0x12c: {  	s26 =	sld [smem:$0x7FD]  }
0x12d: {  	[sflag:s12] =	ssyncset.done $0x0  }
0x12e: {  	[sflag:s12] =	ssyncadd.s32 $0xFFFFC000  }
0x12f: {  	[hbm4b:s26+s4] =	stream.strided.scatter [tilespmem:s7], [sflag:$0x5], $0x4000, s5, s4, $0x38;
	[tilespmem:$0xC100] =	vst v63  }
0x130: {  	_ =	swait.ge [sflag:s11], $0x4000  }
0x131: {  	s20 =	sor.u32 $0xC040, s30;
	[sflag:s11] =	ssyncset.done $0x0  }
0x132: {  	s15 =	sadd.s32 s28, s20;
	[sflag:s11] =	ssyncadd.s32 $0xFFFFC000  }
0x133: {  	[tilespmem:s7], [sflag:$0x2] =	stream.strided.gather [hbm4b:s15+s4], $0x4000, s5, s4, $0x38;
	[tilespmem:$0xC100] =	vst v63  }
0x134: {  	_ =	swait.ge [sflag:s13], $0x4000  }
0x135: {  	[sflag:s13] =	ssyncset.done $0x0  }
0x136: {  	s16 =	sadd.s32 s2, s16;
	[sflag:s13] =	ssyncadd.s32 $0xFFFFC000  }
0x137: {  	[hbm4b:s16+s4] =	stream.strided.scatter [tilespmem:s9], [sflag:$0x6], $0x4000, s5, s4, $0x38;
	[tilespmem:$0xC100] =	vst v63  }
0x138: {  	_ =	swait.ge [sflag:s14], $0x4000  }
0x139: {  	s22 =	sor.u32 $0xD000, s30;
	[sflag:s14] =	ssyncset.done $0x0  }
0x13a: {  	s17 =	sadd.s32 s28, s22;
	[sflag:s14] =	ssyncadd.s32 $0xFFFFC000  }
0x13b: {  	[tilespmem:s9], [sflag:$0x3] =	stream.strided.gather [hbm4b:s17+s4], $0x4000, s5, s4, $0x38;
	[tilespmem:$0xC100] =	vst v63  }
0x13c: {  	_ =	swait.ge [sflag:s10], $0x4000  }
0x13d: {  	[sflag:s10] =	ssyncset.done $0x0  }
0x13e: {  	s18 =	sadd.s32 s2, s18;
	[sflag:s10] =	ssyncadd.s32 $0xFFFFC000  }
0x13f: {  	[hbm4b:s18+s4] =	stream.strided.scatter [tilespmem:s6], [sflag:$0x4], $0x4000, s5, s4, $0x38;
	[tilespmem:$0xC100] =	vst v63  }
0x140: {  	_ =	swait.ge [sflag:s8], $0x4000  }
0x141: {  	s24 =	sor.u32 $0xD040, s30;
	[sflag:s8] =	ssyncset.done $0x0  }
0x142: {  	s19 =	sadd.s32 s28, s24;
	[sflag:s8] =	ssyncadd.s32 $0xFFFFC000  }
0x143: {  	[tilespmem:s6], [sflag:$0x1] =	stream.strided.gather [hbm4b:s19+s4], $0x4000, s5, s4, $0x38;
	[tilespmem:$0xC100] =	vst v63  }
0x144: {  	_ =	swait.ge [sflag:s12], $0x4000  }
0x145: {  	[sflag:s12] =	ssyncset.done $0x0  }
0x146: {  	s20 =	sadd.s32 s2, s20;
	[sflag:s12] =	ssyncadd.s32 $0xFFFFC000  }
0x147: {  	[hbm4b:s20+s4] =	stream.strided.scatter [tilespmem:s7], [sflag:$0x5], $0x4000, s5, s4, $0x38;
	[tilespmem:$0xC100] =	vst v63  }
0x148: {  	_ =	swait.ge [sflag:s11], $0x4000  }
0x149: {  	s26 =	sor.u32 $0xE000, s30;
	[sflag:s11] =	ssyncset.done $0x0  }
0x14a: {  	s21 =	sadd.s32 s28, s26;
	[sflag:s11] =	ssyncadd.s32 $0xFFFFC000  }
0x14b: {  	[tilespmem:s7], [sflag:$0x2] =	stream.strided.gather [hbm4b:s21+s4], $0x4000, s5, s4, $0x38;
	[tilespmem:$0xC100] =	vst v63  }
0x14c: {  	_ =	swait.ge [sflag:s13], $0x4000  }
0x14d: {  	[sflag:s13] =	ssyncset.done $0x0  }
0x14e: {  	s22 =	sadd.s32 s2, s22;
	[sflag:s13] =	ssyncadd.s32 $0xFFFFC000  }
0x14f: {  	[hbm4b:s22+s4] =	stream.strided.scatter [tilespmem:s9], [sflag:$0x6], $0x4000, s5, s4, $0x38;
	[tilespmem:$0xC100] =	vst v63  }
0x150: {  	_ =	swait.ge [sflag:s14], $0x4000  }
0x151: {  	s31 =	sor.u32 $0xE040, s30;
	[sflag:s14] =	ssyncset.done $0x0  }
0x152: {  	s23 =	sadd.s32 s28, s31;
	[sflag:s14] =	ssyncadd.s32 $0xFFFFC000  }
0x153: {  	[tilespmem:s9], [sflag:$0x3] =	stream.strided.gather [hbm4b:s23+s4], $0x4000, s5, s4, $0x38;
	[tilespmem:$0xC100] =	vst v63  }
0x154: {  	_ =	swait.ge [sflag:s10], $0x4000  }
0x155: {  	[sflag:s10] =	ssyncset.done $0x0  }
0x156: {  	s24 =	sadd.s32 s2, s24;
	[sflag:s10] =	ssyncadd.s32 $0xFFFFC000  }
0x157: {  	[hbm4b:s24+s4] =	stream.strided.scatter [tilespmem:s6], [sflag:$0x4], $0x4000, s5, s4, $0x38;
	[tilespmem:$0xC100] =	vst v63  }
0x158: {  	_ =	swait.ge [sflag:s8], $0x4000  }
0x159: {  	s1 =	sor.u32 $0xF000, s30;
	[sflag:s8] =	ssyncset.done $0x0  }
0x15a: {  	s25 =	sadd.s32 s28, s1;
	[sflag:s8] =	ssyncadd.s32 $0xFFFFC000  }
0x15b: {  	[tilespmem:s6], [sflag:$0x1] =	stream.strided.gather [hbm4b:s25+s4], $0x4000, s5, s4, $0x38;
	[tilespmem:$0xC100] =	vst v63  }
0x15c: {  	_ =	swait.ge [sflag:s12], $0x4000  }
0x15d: {  	[sflag:s12] =	ssyncset.done $0x0  }
0x15e: {  	s26 =	sadd.s32 s2, s26;
	[sflag:s12] =	ssyncadd.s32 $0xFFFFC000  }
0x15f: {  	[hbm4b:s26+s4] =	stream.strided.scatter [tilespmem:s7], [sflag:$0x5], $0x4000, s5, s4, $0x38;
	[tilespmem:$0xC100] =	vst v63  }
0x160: {  	_ =	swait.ge [sflag:s11], $0x4000  }
0x161: {  	s0 =	sor.u32 $0xF040, s30;
	[sflag:s11] =	ssyncset.done $0x0  }
0x162: {  	s30 =	ssub.s32 $0x2, s29;
	s28 =	sadd.s32 s28, s0;
	[sflag:s11] =	ssyncadd.s32 $0xFFFFC000  }
0x163: {  	[tilespmem:s7], [sflag:$0x2] =	stream.strided.gather [hbm4b:s28+s4], $0x4000, s5, s4, $0x38;
	[tilespmem:$0xC100] =	vst v63  }
0x164: {  	s29 =	sadd.s32 s2, s31;
	s31 =	sshrl.u32 s30, $0x1;
	_ =	swait.ge [sflag:s13], $0x4000  }
0x165: {  	s31 =	ssub.s32 s30, s31;
	[sflag:s13] =	ssyncset.done $0x0  }
0x166: {  	s30 =	sadd.s32 s2, s1;
	s1 =	smax.u32 s31, $0x1;
	[sflag:s13] =	ssyncadd.s32 $0xFFFFC000  }
0x167: {  	[hbm4b:s29+s4] =	stream.strided.scatter [tilespmem:s9], [sflag:$0x6], $0x4000, s5, s4, $0x38;
	[tilespmem:$0xC100] =	vst v63  }
0x168: {  	p0 =	sne.s32 s1, $0x1;
	_ =	swait.ge [sflag:s10], $0x4000  }
.Ltmp0:
0x169: {  	[sflag:s10] =	ssyncset.done $0x0;
	(pc) =	sbr.rel @!p0 .LBB2_2-.Ltmp0, $4  }
0x16a: {  	[sflag:s10] =	ssyncadd.s32 $0xFFFFC000  }
0x16b: {  	[hbm4b:s30+s4] =	stream.strided.scatter [tilespmem:s6], [sflag:$0x4], $0x4000, s5, s4, $0x38;
	[tilespmem:$0xC100] =	vst v63  }
0x16c: {  	_ =	swait.ge [sflag:s12], $0x4000  }
0x16d: {  	s31 =	sadd.s32 s2, s0;
	s1 =	sadd.s32 $0xFFFFFFFF, s1;
	[sflag:s12] =	ssyncset.done $0x0  }
.LBB2_1:
0x16e: {  	[sflag:s12] =	ssyncadd.s32 $0xFFFFC000  }
0x16f: {  	[hbm4b:s31+s4] =	stream.strided.scatter [tilespmem:s7], [sflag:$0x5], $0x4000, s5, s4, $0x38;
	[tilespmem:$0xC100] =	vst v63  }
0x170: {  	_ =	swait.ge [sflag:s14], $0x4000  }
0x171: {  	[sflag:s14] =	ssyncset.done $0x0  }
0x172: {  	[sflag:s14] =	ssyncadd.s32 $0xFFFFC000  }
0x173: {  	_ =	swait.ge [sflag:s8], $0x4000  }
0x174: {  	[sflag:s8] =	ssyncset.done $0x0  }
0x175: {  	[sflag:s8] =	ssyncadd.s32 $0xFFFFC000  }
0x176: {  	_ =	swait.ge [sflag:s11], $0x4000  }
0x177: {  	[sflag:s11] =	ssyncset.done $0x0  }
0x178: {  	s2 =	simm.s32 $0x0;
	s0 =	rddreg [dreg:$0x4];
	[sflag:s11] =	ssyncadd.s32 $0xFFFFC000  }
0x179: {  	[tilespmem:s2], [sflag:$0x7] =	stream.linear.gather [hbm4b:s0+s2], $0x80, $0x38;
	[tilespmem:$0xC100] =	vst v63  }
0x17a: {  	_ =	swait.ge [sflag:s3], $0x80  }
0x17b: {  	[sflag:s3] =	ssyncset.done $0x0  }
0x17c: {  	[sflag:s3] =	ssyncadd.s32 $0xFFFFFF80  }
0x17d: {  	v0 =	vld [tilespmem:$0x50]  }
0x17e: {  	v2 =	vld [tilespmem:$0x60]  }
0x17f: {  	v1 =	vld [tilespmem:$0x10]  }
0x180: {  	v4 =	vld [tilespmem:$0x0]  }
0x181: {  	v3 =	vld [tilespmem:$0x20]  }
0x182: {  	v5 =	vld [tilespmem:$0x30];
	v0 =	vsub.f32 $0.0e+00, v0  }
0x183: {  	v6 =	vld [tilespmem:$0x40];
	v2 =	vsub.f32 $0.0e+00, v2  }
0x184: {  	v7 =	vld [tilespmem:$0x70];
	v1 =	vsub.f32 $0.0e+00, v1;
	v0 =	vmul.f32 $1.442695020e+00, v0  }
0x185: {  	v4 =	vsub.f32 $0.0e+00, v4;
	v2 =	vmul.f32 $1.442695020e+00, v2  }
0x186: {  	v3 =	vsub.f32 $0.0e+00, v3;
	v39 =	vmul.f32 $1.442695020e+00, v1;
	(erf) = vpow2.f32 v0  }
0x187: {  	v41 =	vsub.f32 $0.0e+00, v5;
	v4 =	vmul.f32 $1.442695020e+00, v4;
	(erf) = vpow2.f32 v2  }
0x188: {  	v42 =	vsub.f32 $0.0e+00, v6;
	v40 =	vmul.f32 $1.442695020e+00, v3;
	(erf) = vpow2.f32 v39  }
0x189: {  	v44 =	vsub.f32 $0.0e+00, v7;
	v43 =	vmul.f32 $1.442695020e+00, v41;
	(erf) = vpow2.f32 v4  }
0x18a: {  	v45 =	vmul.f32 $1.442695020e+00, v42;
	(erf) = vpow2.f32 v40  }
0x18b: {  	v3 =	vmul.f32 $1.442695020e+00, v44;
	(erf) = vpow2.f32 v43  }
0x18c: {  	(erf) = vpow2.f32 v45  }
0x18d: {  	(erf) = vpow2.f32 v3;
	_ =	sdelay $0x1  }
0x18e: {  	v46 =	vpop (erf)  }
0x18f: {  	v0 =	vadd.f32 $1.000000000e+00, v46;
	v47 =	vpop (erf)  }
0x190: {  	v1 =	vadd.f32 $1.000000000e+00, v47;
	v48 =	vpop (erf)  }
0x191: {  	(erf) = vrcp.f32 v0;
	v49 =	vadd.f32 $1.000000000e+00, v48;
	v50 =	vpop (erf)  }
0x192: {  	v51 =	vadd.f32 $1.000000000e+00, v50;
	v52 =	vpop (erf);
	(erf) = vrcp.f32 v1  }
0x193: {  	v3 =	vadd.f32 $1.000000000e+00, v52;
	(erf) = vrcp.f32 v49;
	v53 =	vpop (erf)  }
0x194: {  	v0 =	vadd.f32 $1.000000000e+00, v53;
	(erf) = vrcp.f32 v51;
	v54 =	vpop (erf)  }
0x195: {  	v2 =	vadd.f32 $1.000000000e+00, v54;
	(erf) = vrcp.f32 v3;
	v55 =	vpop (erf)  }
0x196: {  	v1 =	vadd.f32 $1.000000000e+00, v55;
	(erf) = vrcp.f32 v0  }
0x197: {  	(erf) = vrcp.f32 v2  }
0x198: {  	(erf) = vrcp.f32 v1;
	_ =	sdelay $0x1  }
0x199: {  	v56 =	vpop (erf)  }
0x19a: {  	[tilespmem:$0xD0] =	vst v56;
	v57 =	vpop (erf)  }
0x19b: {  	[tilespmem:$0xE0] =	vst v57;
	v58 =	vpop (erf)  }
0x19c: {  	[tilespmem:$0x90] =	vst v58;
	v59 =	vpop (erf)  }
0x19d: {  	[tilespmem:$0x80] =	vst v59;
	v60 =	vpop (erf)  }
0x19e: {  	[tilespmem:$0xA0] =	vst v60;
	v61 =	vpop (erf)  }
0x19f: {  	[tilespmem:$0xB0] =	vst v61;
	v62 =	vpop (erf)  }
0x1a0: {  	[tilespmem:$0xC0] =	vst v62;
	v63 =	vpop (erf)  }
0x1a1: {  	s0 =	rddreg [dreg:$0x5];
	[tilespmem:$0xF0] =	vst v63  }
0x1a2: {  	[tilespmem:s6], [sflag:$0x1] =	stream.strided.gather [hbm4b:s0+s4], $0x4000, s5, s4, $0x38;
	[tilespmem:$0xC100] =	vst v63  }
0x1a3: {  	s2 =	rddreg [dreg:$0x6]  }
0x1a4: {  	[tilespmem:s7], [sflag:$0x2] =	stream.strided.gather [hbm4b:s2+s4], $0x4000, s5, s4, $0x38;
	[tilespmem:$0xC100] =	vst v63  }
0x1a5: {  	s0 =	rddreg [dreg:$0x7]  }
0x1a6: {  	[tilespmem:s9], [sflag:$0x3] =	stream.strided.gather [hbm4b:s0+s4], $0x4000, s5, s4, $0x38;
	[tilespmem:$0xC100] =	vst v63  }
0x1a7: {  	_ =	swait.ge [sflag:s10], $0x4000  }
0x1a8: {  	[sflag:s10] =	ssyncset.done $0x0  }
0x1a9: {  	s2 =	rddreg [dreg:$0x8];
	[sflag:s10] =	ssyncadd.s32 $0xFFFFC000  }
0x1aa: {  	[hbm4b:s2+s4] =	stream.strided.scatter [tilespmem:s6], [sflag:$0x4], $0x4000, s5, s4, $0x38;
	[tilespmem:$0xC100] =	vst v63  }
0x1ab: {  	_ =	swait.ge [sflag:s8], $0x4000  }
0x1ac: {  	[sflag:s8] =	ssyncset.done $0x0  }
0x1ad: {  	s2 =	rddreg [dreg:$0x9];
	[sflag:s8] =	ssyncadd.s32 $0xFFFFC000  }
0x1ae: {  	[tilespmem:s6], [sflag:$0x1] =	stream.strided.gather [hbm4b:s2+s4], $0x4000, s5, s4, $0x38;
	[tilespmem:$0xC100] =	vst v63  }
0x1af: {  	_ =	swait.ge [sflag:s12], $0x4000  }
0x1b0: {  	[sflag:s12] =	ssyncset.done $0x0  }
0x1b1: {  	s2 =	rddreg [dreg:$0xa];
	[sflag:s12] =	ssyncadd.s32 $0xFFFFC000  }
0x1b2: {  	[hbm4b:s2+s4] =	stream.strided.scatter [tilespmem:s7], [sflag:$0x5], $0x4000, s5, s4, $0x38;
	[tilespmem:$0xC100] =	vst v63  }
0x1b3: {  	_ =	swait.ge [sflag:s11], $0x4000  }
0x1b4: {  	[sflag:s11] =	ssyncset.done $0x0  }
0x1b5: {  	s2 =	rddreg [dreg:$0xb];
	[sflag:s11] =	ssyncadd.s32 $0xFFFFC000  }
0x1b6: {  	[tilespmem:s7], [sflag:$0x2] =	stream.strided.gather [hbm4b:s2+s4], $0x4000, s5, s4, $0x38;
	[tilespmem:$0xC100] =	vst v63  }
0x1b7: {  	_ =	swait.ge [sflag:s13], $0x4000  }
0x1b8: {  	[sflag:s13] =	ssyncset.done $0x0  }
0x1b9: {  	s2 =	rddreg [dreg:$0xc];
	[sflag:s13] =	ssyncadd.s32 $0xFFFFC000  }
0x1ba: {  	[hbm4b:s2+s4] =	stream.strided.scatter [tilespmem:s9], [sflag:$0x6], $0x4000, s5, s4, $0x38;
	[tilespmem:$0xC100] =	vst v63  }
0x1bb: {  	_ =	swait.ge [sflag:s14], $0x4000  }
0x1bc: {  	[sflag:s14] =	ssyncset.done $0x0  }
0x1bd: {  	s2 =	rddreg [dreg:$0xd];
	[sflag:s14] =	ssyncadd.s32 $0xFFFFC000  }
0x1be: {  	[tilespmem:s9], [sflag:$0x3] =	stream.strided.gather [hbm4b:s2+s4], $0x4000, s5, s4, $0x38;
	[tilespmem:$0xC100] =	vst v63  }
0x1bf: {  	_ =	swait.ge [sflag:s10], $0x4000  }
0x1c0: {  	[sflag:s10] =	ssyncset.done $0x0  }
0x1c1: {  	s2 =	rddreg [dreg:$0xe];
	[sflag:s10] =	ssyncadd.s32 $0xFFFFC000  }
0x1c2: {  	[hbm4b:s2+s4] =	stream.strided.scatter [tilespmem:s6], [sflag:$0x4], $0x4000, s5, s4, $0x38;
	[tilespmem:$0xC100] =	vst v63  }
0x1c3: {  	_ =	swait.ge [sflag:s8], $0x4000  }
0x1c4: {  	[sflag:s8] =	ssyncset.done $0x0  }
0x1c5: {  	s2 =	rddreg [dreg:$0xf];
	[sflag:s8] =	ssyncadd.s32 $0xFFFFC000  }
0x1c6: {  	[tilespmem:s6], [sflag:$0x1] =	stream.strided.gather [hbm4b:s2+s4], $0x4000, s5, s4, $0x38;
	[tilespmem:$0xC100] =	vst v63  }
0x1c7: {  	_ =	swait.ge [sflag:s12], $0x4000  }
0x1c8: {  	[sflag:s12] =	ssyncset.done $0x0  }
0x1c9: {  	s2 =	rddreg [dreg:$0x10];
	[sflag:s12] =	ssyncadd.s32 $0xFFFFC000  }
0x1ca: {  	[hbm4b:s2+s4] =	stream.strided.scatter [tilespmem:s7], [sflag:$0x5], $0x4000, s5, s4, $0x38;
	[tilespmem:$0xC100] =	vst v63  }
0x1cb: {  	_ =	swait.ge [sflag:s11], $0x4000  }
0x1cc: {  	[sflag:s11] =	ssyncset.done $0x0  }
0x1cd: {  	s2 =	rddreg [dreg:$0x11];
	[sflag:s11] =	ssyncadd.s32 $0xFFFFC000  }
0x1ce: {  	[tilespmem:s7], [sflag:$0x2] =	stream.strided.gather [hbm4b:s2+s4], $0x4000, s5, s4, $0x38;
	[tilespmem:$0xC100] =	vst v63  }
0x1cf: {  	_ =	swait.ge [sflag:s13], $0x4000  }
0x1d0: {  	[sflag:s13] =	ssyncset.done $0x0  }
0x1d1: {  	s2 =	rddreg [dreg:$0x12];
	[sflag:s13] =	ssyncadd.s32 $0xFFFFC000  }
0x1d2: {  	[hbm4b:s2+s4] =	stream.strided.scatter [tilespmem:s9], [sflag:$0x6], $0x4000, s5, s4, $0x38;
	[tilespmem:$0xC100] =	vst v63  }
0x1d3: {  	_ =	swait.ge [sflag:s14], $0x4000  }
0x1d4: {  	[sflag:s14] =	ssyncset.done $0x0  }
0x1d5: {  	s2 =	rddreg [dreg:$0x13];
	[sflag:s14] =	ssyncadd.s32 $0xFFFFC000  }
0x1d6: {  	[tilespmem:s9], [sflag:$0x3] =	stream.strided.gather [hbm4b:s2+s4], $0x4000, s5, s4, $0x38;
	[tilespmem:$0xC100] =	vst v63  }
0x1d7: {  	_ =	swait.ge [sflag:s10], $0x4000  }
0x1d8: {  	[sflag:s10] =	ssyncset.done $0x0  }
0x1d9: {  	s2 =	rddreg [dreg:$0x14];
	[sflag:s10] =	ssyncadd.s32 $0xFFFFC000  }
0x1da: {  	[hbm4b:s2+s4] =	stream.strided.scatter [tilespmem:s6], [sflag:$0x4], $0x4000, s5, s4, $0x38;
	[tilespmem:$0xC100] =	vst v63  }
0x1db: {  	_ =	swait.ge [sflag:s8], $0x4000  }
0x1dc: {  	[sflag:s8] =	ssyncset.done $0x0  }
0x1dd: {  	s2 =	rddreg [dreg:$0x15];
	[sflag:s8] =	ssyncadd.s32 $0xFFFFC000  }
0x1de: {  	[tilespmem:s6], [sflag:$0x1] =	stream.strided.gather [hbm4b:s2+s4], $0x4000, s5, s4, $0x38;
	[tilespmem:$0xC100] =	vst v63  }
0x1df: {  	_ =	swait.ge [sflag:s12], $0x4000  }
0x1e0: {  	[sflag:s12] =	ssyncset.done $0x0  }
0x1e1: {  	s2 =	rddreg [dreg:$0x16];
	[sflag:s12] =	ssyncadd.s32 $0xFFFFC000  }
0x1e2: {  	[hbm4b:s2+s4] =	stream.strided.scatter [tilespmem:s7], [sflag:$0x5], $0x4000, s5, s4, $0x38;
	[tilespmem:$0xC100] =	vst v63  }
0x1e3: {  	_ =	swait.ge [sflag:s11], $0x4000  }
0x1e4: {  	[sflag:s11] =	ssyncset.done $0x0  }
0x1e5: {  	s2 =	rddreg [dreg:$0x17];
	[sflag:s11] =	ssyncadd.s32 $0xFFFFC000  }
0x1e6: {  	[tilespmem:s7], [sflag:$0x2] =	stream.strided.gather [hbm4b:s2+s4], $0x4000, s5, s4, $0x38;
	[tilespmem:$0xC100] =	vst v63  }
0x1e7: {  	_ =	swait.ge [sflag:s13], $0x4000  }
0x1e8: {  	[sflag:s13] =	ssyncset.done $0x0  }
0x1e9: {  	s2 =	rddreg [dreg:$0x18];
	[sflag:s13] =	ssyncadd.s32 $0xFFFFC000  }
0x1ea: {  	[hbm4b:s2+s4] =	stream.strided.scatter [tilespmem:s9], [sflag:$0x6], $0x4000, s5, s4, $0x38;
	[tilespmem:$0xC100] =	vst v63  }
0x1eb: {  	_ =	swait.ge [sflag:s14], $0x4000  }
0x1ec: {  	[sflag:s14] =	ssyncset.done $0x0  }
0x1ed: {  	s2 =	rddreg [dreg:$0x19];
	[sflag:s14] =	ssyncadd.s32 $0xFFFFC000  }
0x1ee: {  	[tilespmem:s9], [sflag:$0x3] =	stream.strided.gather [hbm4b:s2+s4], $0x4000, s5, s4, $0x38;
	[tilespmem:$0xC100] =	vst v63  }
0x1ef: {  	_ =	swait.ge [sflag:s10], $0x4000  }
0x1f0: {  	[sflag:s10] =	ssyncset.done $0x0  }
0x1f1: {  	s2 =	rddreg [dreg:$0x1a];
	[sflag:s10] =	ssyncadd.s32 $0xFFFFC000  }
0x1f2: {  	[hbm4b:s2+s4] =	stream.strided.scatter [tilespmem:s6], [sflag:$0x4], $0x4000, s5, s4, $0x38;
	[tilespmem:$0xC100] =	vst v63  }
0x1f3: {  	_ =	swait.ge [sflag:s8], $0x4000  }
0x1f4: {  	[sflag:s8] =	ssyncset.done $0x0  }
0x1f5: {  	s2 =	rddreg [dreg:$0x1b];
	[sflag:s8] =	ssyncadd.s32 $0xFFFFC000  }
0x1f6: {  	[tilespmem:s6], [sflag:$0x1] =	stream.strided.gather [hbm4b:s2+s4], $0x4000, s5, s4, $0x38;
	[tilespmem:$0xC100] =	vst v63  }
0x1f7: {  	_ =	swait.ge [sflag:s12], $0x4000  }
0x1f8: {  	[sflag:s12] =	ssyncset.done $0x0  }
0x1f9: {  	s2 =	rddreg [dreg:$0x1c];
	[sflag:s12] =	ssyncadd.s32 $0xFFFFC000  }
0x1fa: {  	[hbm4b:s2+s4] =	stream.strided.scatter [tilespmem:s7], [sflag:$0x5], $0x4000, s5, s4, $0x38;
	[tilespmem:$0xC100] =	vst v63  }
0x1fb: {  	_ =	swait.ge [sflag:s11], $0x4000  }
0x1fc: {  	[sflag:s11] =	ssyncset.done $0x0  }
0x1fd: {  	s2 =	rddreg [dreg:$0x1d];
	[sflag:s11] =	ssyncadd.s32 $0xFFFFC000  }
0x1fe: {  	[tilespmem:s7], [sflag:$0x2] =	stream.strided.gather [hbm4b:s2+s4], $0x4000, s5, s4, $0x38;
	[tilespmem:$0xC100] =	vst v63  }
0x1ff: {  	_ =	swait.ge [sflag:s13], $0x4000  }
0x200: {  	[sflag:s13] =	ssyncset.done $0x0  }
0x201: {  	s2 =	rddreg [dreg:$0x1e];
	[sflag:s13] =	ssyncadd.s32 $0xFFFFC000  }
0x202: {  	[hbm4b:s2+s4] =	stream.strided.scatter [tilespmem:s9], [sflag:$0x6], $0x4000, s5, s4, $0x38;
	[tilespmem:$0xC100] =	vst v63  }
0x203: {  	_ =	swait.ge [sflag:s14], $0x4000  }
0x204: {  	[sflag:s14] =	ssyncset.done $0x0  }
0x205: {  	s2 =	rddreg [dreg:$0x1f];
	[sflag:s14] =	ssyncadd.s32 $0xFFFFC000  }
0x206: {  	[tilespmem:s9], [sflag:$0x3] =	stream.strided.gather [hbm4b:s2+s4], $0x4000, s5, s4, $0x38;
	[tilespmem:$0xC100] =	vst v63  }
0x207: {  	_ =	swait.ge [sflag:s10], $0x4000  }
0x208: {  	s2 =	sld [smem:$0x7E9]  }
0x209: {  	[sflag:s10] =	ssyncset.done $0x0  }
0x20a: {  	[sflag:s10] =	ssyncadd.s32 $0xFFFFC000  }
0x20b: {  	[hbm4b:s2+s4] =	stream.strided.scatter [tilespmem:s6], [sflag:$0x4], $0x4000, s5, s4, $0x38;
	[tilespmem:$0xC100] =	vst v63  }
0x20c: {  	_ =	swait.ge [sflag:s8], $0x4000  }
0x20d: {  	s2 =	sld [smem:$0x7EA]  }
0x20e: {  	[sflag:s8] =	ssyncset.done $0x0  }
0x20f: {  	[sflag:s8] =	ssyncadd.s32 $0xFFFFC000  }
0x210: {  	[tilespmem:s6], [sflag:$0x1] =	stream.strided.gather [hbm4b:s2+s4], $0x4000, s5, s4, $0x38;
	[tilespmem:$0xC100] =	vst v63  }
0x211: {  	_ =	swait.ge [sflag:s12], $0x4000  }
0x212: {  	s2 =	sld [smem:$0x7EB]  }
0x213: {  	[sflag:s12] =	ssyncset.done $0x0  }
0x214: {  	[sflag:s12] =	ssyncadd.s32 $0xFFFFC000  }
0x215: {  	[hbm4b:s2+s4] =	stream.strided.scatter [tilespmem:s7], [sflag:$0x5], $0x4000, s5, s4, $0x38;
	[tilespmem:$0xC100] =	vst v63  }
0x216: {  	_ =	swait.ge [sflag:s11], $0x4000  }
0x217: {  	s2 =	sld [smem:$0x7EC]  }
0x218: {  	[sflag:s11] =	ssyncset.done $0x0  }
0x219: {  	[sflag:s11] =	ssyncadd.s32 $0xFFFFC000  }
0x21a: {  	[tilespmem:s7], [sflag:$0x2] =	stream.strided.gather [hbm4b:s2+s4], $0x4000, s5, s4, $0x38;
	[tilespmem:$0xC100] =	vst v63  }
0x21b: {  	_ =	swait.ge [sflag:s13], $0x4000  }
0x21c: {  	s2 =	sld [smem:$0x7ED]  }
0x21d: {  	[sflag:s13] =	ssyncset.done $0x0  }
0x21e: {  	[sflag:s13] =	ssyncadd.s32 $0xFFFFC000  }
0x21f: {  	[hbm4b:s2+s4] =	stream.strided.scatter [tilespmem:s9], [sflag:$0x6], $0x4000, s5, s4, $0x38;
	[tilespmem:$0xC100] =	vst v63  }
0x220: {  	_ =	swait.ge [sflag:s14], $0x4000  }
0x221: {  	s2 =	sld [smem:$0x7EE]  }
0x222: {  	[sflag:s14] =	ssyncset.done $0x0  }
0x223: {  	[sflag:s14] =	ssyncadd.s32 $0xFFFFC000  }
0x224: {  	[tilespmem:s9], [sflag:$0x3] =	stream.strided.gather [hbm4b:s2+s4], $0x4000, s5, s4, $0x38;
	[tilespmem:$0xC100] =	vst v63  }
0x225: {  	_ =	swait.ge [sflag:s10], $0x4000  }
0x226: {  	s2 =	sld [smem:$0x7EF]  }
0x227: {  	[sflag:s10] =	ssyncset.done $0x0  }
0x228: {  	[sflag:s10] =	ssyncadd.s32 $0xFFFFC000  }
0x229: {  	[hbm4b:s2+s4] =	stream.strided.scatter [tilespmem:s6], [sflag:$0x4], $0x4000, s5, s4, $0x38;
	[tilespmem:$0xC100] =	vst v63  }
0x22a: {  	_ =	swait.ge [sflag:s8], $0x4000  }
0x22b: {  	s2 =	sld [smem:$0x7F0]  }
0x22c: {  	[sflag:s8] =	ssyncset.done $0x0  }
0x22d: {  	[sflag:s8] =	ssyncadd.s32 $0xFFFFC000  }
0x22e: {  	[tilespmem:s6], [sflag:$0x1] =	stream.strided.gather [hbm4b:s2+s4], $0x4000, s5, s4, $0x38;
	[tilespmem:$0xC100] =	vst v63  }
0x22f: {  	_ =	swait.ge [sflag:s12], $0x4000  }
0x230: {  	s2 =	sld [smem:$0x7F1]  }
0x231: {  	[sflag:s12] =	ssyncset.done $0x0  }
0x232: {  	[sflag:s12] =	ssyncadd.s32 $0xFFFFC000  }
0x233: {  	[hbm4b:s2+s4] =	stream.strided.scatter [tilespmem:s7], [sflag:$0x5], $0x4000, s5, s4, $0x38;
	[tilespmem:$0xC100] =	vst v63  }
0x234: {  	_ =	swait.ge [sflag:s11], $0x4000  }
0x235: {  	s2 =	sld [smem:$0x7F2]  }
0x236: {  	[sflag:s11] =	ssyncset.done $0x0  }
0x237: {  	[sflag:s11] =	ssyncadd.s32 $0xFFFFC000  }
0x238: {  	[tilespmem:s7], [sflag:$0x2] =	stream.strided.gather [hbm4b:s2+s4], $0x4000, s5, s4, $0x38;
	[tilespmem:$0xC100] =	vst v63  }
0x239: {  	_ =	swait.ge [sflag:s13], $0x4000  }
0x23a: {  	s2 =	sld [smem:$0x7F3]  }
0x23b: {  	[sflag:s13] =	ssyncset.done $0x0  }
0x23c: {  	[sflag:s13] =	ssyncadd.s32 $0xFFFFC000  }
0x23d: {  	[hbm4b:s2+s4] =	stream.strided.scatter [tilespmem:s9], [sflag:$0x6], $0x4000, s5, s4, $0x38;
	[tilespmem:$0xC100] =	vst v63  }
0x23e: {  	_ =	swait.ge [sflag:s14], $0x4000  }
0x23f: {  	s2 =	sld [smem:$0x7F4]  }
0x240: {  	[sflag:s14] =	ssyncset.done $0x0  }
0x241: {  	[sflag:s14] =	ssyncadd.s32 $0xFFFFC000  }
0x242: {  	[tilespmem:s9], [sflag:$0x3] =	stream.strided.gather [hbm4b:s2+s4], $0x4000, s5, s4, $0x38;
	[tilespmem:$0xC100] =	vst v63  }
0x243: {  	_ =	swait.ge [sflag:s10], $0x4000  }
0x244: {  	s2 =	sld [smem:$0x7F5]  }
0x245: {  	[sflag:s10] =	ssyncset.done $0x0  }
0x246: {  	[sflag:s10] =	ssyncadd.s32 $0xFFFFC000  }
0x247: {  	[hbm4b:s2+s4] =	stream.strided.scatter [tilespmem:s6], [sflag:$0x4], $0x4000, s5, s4, $0x38;
	[tilespmem:$0xC100] =	vst v63  }
0x248: {  	_ =	swait.ge [sflag:s8], $0x4000  }
0x249: {  	s2 =	sld [smem:$0x7F6]  }
0x24a: {  	[sflag:s8] =	ssyncset.done $0x0  }
0x24b: {  	[sflag:s8] =	ssyncadd.s32 $0xFFFFC000  }
0x24c: {  	[tilespmem:s6], [sflag:$0x1] =	stream.strided.gather [hbm4b:s2+s4], $0x4000, s5, s4, $0x38;
	[tilespmem:$0xC100] =	vst v63  }
0x24d: {  	_ =	swait.ge [sflag:s12], $0x4000  }
0x24e: {  	s2 =	sld [smem:$0x7F7]  }
0x24f: {  	[sflag:s12] =	ssyncset.done $0x0  }
0x250: {  	[sflag:s12] =	ssyncadd.s32 $0xFFFFC000  }
0x251: {  	[hbm4b:s2+s4] =	stream.strided.scatter [tilespmem:s7], [sflag:$0x5], $0x4000, s5, s4, $0x38;
	[tilespmem:$0xC100] =	vst v63  }
0x252: {  	_ =	swait.ge [sflag:s11], $0x4000  }
0x253: {  	s2 =	sld [smem:$0x7F8]  }
0x254: {  	[sflag:s11] =	ssyncset.done $0x0  }
0x255: {  	[sflag:s11] =	ssyncadd.s32 $0xFFFFC000  }
0x256: {  	[tilespmem:s7], [sflag:$0x2] =	stream.strided.gather [hbm4b:s2+s4], $0x4000, s5, s4, $0x38;
	[tilespmem:$0xC100] =	vst v63  }
0x257: {  	_ =	swait.ge [sflag:s13], $0x4000  }
0x258: {  	s2 =	sld [smem:$0x7F9]  }
0x259: {  	[sflag:s13] =	ssyncset.done $0x0  }
0x25a: {  	[sflag:s13] =	ssyncadd.s32 $0xFFFFC000  }
0x25b: {  	[hbm4b:s2+s4] =	stream.strided.scatter [tilespmem:s9], [sflag:$0x6], $0x4000, s5, s4, $0x38;
	[tilespmem:$0xC100] =	vst v63  }
0x25c: {  	_ =	swait.ge [sflag:s14], $0x4000  }
0x25d: {  	s2 =	sld [smem:$0x7FA]  }
0x25e: {  	[sflag:s14] =	ssyncset.done $0x0  }
0x25f: {  	[sflag:s14] =	ssyncadd.s32 $0xFFFFC000  }
0x260: {  	[tilespmem:s9], [sflag:$0x3] =	stream.strided.gather [hbm4b:s2+s4], $0x4000, s5, s4, $0x38;
	[tilespmem:$0xC100] =	vst v63  }
0x261: {  	_ =	swait.ge [sflag:s10], $0x4000  }
0x262: {  	s2 =	sld [smem:$0x7FB]  }
0x263: {  	[sflag:s10] =	ssyncset.done $0x0  }
0x264: {  	[sflag:s10] =	ssyncadd.s32 $0xFFFFC000  }
0x265: {  	[hbm4b:s2+s4] =	stream.strided.scatter [tilespmem:s6], [sflag:$0x4], $0x4000, s5, s4, $0x38;
	[tilespmem:$0xC100] =	vst v63  }
0x266: {  	_ =	swait.ge [sflag:s8], $0x4000  }
0x267: {  	s2 =	sld [smem:$0x7FC]  }
0x268: {  	[sflag:s8] =	ssyncset.done $0x0  }
0x269: {  	[sflag:s8] =	ssyncadd.s32 $0xFFFFC000  }
0x26a: {  	[tilespmem:s6], [sflag:$0x1] =	stream.strided.gather [hbm4b:s2+s4], $0x4000, s5, s4, $0x38;
	[tilespmem:$0xC100] =	vst v63  }
0x26b: {  	_ =	swait.ge [sflag:s12], $0x4000  }
0x26c: {  	s2 =	sld [smem:$0x7FD]  }
0x26d: {  	[sflag:s12] =	ssyncset.done $0x0  }
0x26e: {  	[sflag:s12] =	ssyncadd.s32 $0xFFFFC000  }
0x26f: {  	[hbm4b:s2+s4] =	stream.strided.scatter [tilespmem:s7], [sflag:$0x5], $0x4000, s5, s4, $0x38;
	[tilespmem:$0xC100] =	vst v63  }
0x270: {  	_ =	swait.ge [sflag:s11], $0x4000  }
0x271: {  	[sflag:s11] =	ssyncset.done $0x0  }
0x272: {  	[sflag:s11] =	ssyncadd.s32 $0xFFFFC000  }
0x273: {  	[tilespmem:s7], [sflag:$0x2] =	stream.strided.gather [hbm4b:s15+s4], $0x4000, s5, s4, $0x38;
	[tilespmem:$0xC100] =	vst v63  }
0x274: {  	_ =	swait.ge [sflag:s13], $0x4000  }
0x275: {  	[sflag:s13] =	ssyncset.done $0x0  }
0x276: {  	[sflag:s13] =	ssyncadd.s32 $0xFFFFC000  }
0x277: {  	[hbm4b:s16+s4] =	stream.strided.scatter [tilespmem:s9], [sflag:$0x6], $0x4000, s5, s4, $0x38;
	[tilespmem:$0xC100] =	vst v63  }
0x278: {  	_ =	swait.ge [sflag:s14], $0x4000  }
0x279: {  	[sflag:s14] =	ssyncset.done $0x0  }
0x27a: {  	[sflag:s14] =	ssyncadd.s32 $0xFFFFC000  }
0x27b: {  	[tilespmem:s9], [sflag:$0x3] =	stream.strided.gather [hbm4b:s17+s4], $0x4000, s5, s4, $0x38;
	[tilespmem:$0xC100] =	vst v63  }
0x27c: {  	_ =	swait.ge [sflag:s10], $0x4000  }
0x27d: {  	[sflag:s10] =	ssyncset.done $0x0  }
0x27e: {  	[sflag:s10] =	ssyncadd.s32 $0xFFFFC000  }
0x27f: {  	[hbm4b:s18+s4] =	stream.strided.scatter [tilespmem:s6], [sflag:$0x4], $0x4000, s5, s4, $0x38;
	[tilespmem:$0xC100] =	vst v63  }
0x280: {  	_ =	swait.ge [sflag:s8], $0x4000  }
0x281: {  	[sflag:s8] =	ssyncset.done $0x0  }
0x282: {  	[sflag:s8] =	ssyncadd.s32 $0xFFFFC000  }
0x283: {  	[tilespmem:s6], [sflag:$0x1] =	stream.strided.gather [hbm4b:s19+s4], $0x4000, s5, s4, $0x38;
	[tilespmem:$0xC100] =	vst v63  }
0x284: {  	_ =	swait.ge [sflag:s12], $0x4000  }
0x285: {  	[sflag:s12] =	ssyncset.done $0x0  }
0x286: {  	[sflag:s12] =	ssyncadd.s32 $0xFFFFC000  }
0x287: {  	[hbm4b:s20+s4] =	stream.strided.scatter [tilespmem:s7], [sflag:$0x5], $0x4000, s5, s4, $0x38;
	[tilespmem:$0xC100] =	vst v63  }
0x288: {  	_ =	swait.ge [sflag:s11], $0x4000  }
0x289: {  	[sflag:s11] =	ssyncset.done $0x0  }
0x28a: {  	[sflag:s11] =	ssyncadd.s32 $0xFFFFC000  }
0x28b: {  	[tilespmem:s7], [sflag:$0x2] =	stream.strided.gather [hbm4b:s21+s4], $0x4000, s5, s4, $0x38;
	[tilespmem:$0xC100] =	vst v63  }
0x28c: {  	_ =	swait.ge [sflag:s13], $0x4000  }
0x28d: {  	[sflag:s13] =	ssyncset.done $0x0  }
0x28e: {  	[sflag:s13] =	ssyncadd.s32 $0xFFFFC000  }
0x28f: {  	[hbm4b:s22+s4] =	stream.strided.scatter [tilespmem:s9], [sflag:$0x6], $0x4000, s5, s4, $0x38;
	[tilespmem:$0xC100] =	vst v63  }
0x290: {  	_ =	swait.ge [sflag:s14], $0x4000  }
0x291: {  	[sflag:s14] =	ssyncset.done $0x0  }
0x292: {  	[sflag:s14] =	ssyncadd.s32 $0xFFFFC000  }
0x293: {  	[tilespmem:s9], [sflag:$0x3] =	stream.strided.gather [hbm4b:s23+s4], $0x4000, s5, s4, $0x38;
	[tilespmem:$0xC100] =	vst v63  }
0x294: {  	_ =	swait.ge [sflag:s10], $0x4000  }
0x295: {  	[sflag:s10] =	ssyncset.done $0x0  }
0x296: {  	[sflag:s10] =	ssyncadd.s32 $0xFFFFC000  }
0x297: {  	[hbm4b:s24+s4] =	stream.strided.scatter [tilespmem:s6], [sflag:$0x4], $0x4000, s5, s4, $0x38;
	[tilespmem:$0xC100] =	vst v63  }
0x298: {  	_ =	swait.ge [sflag:s8], $0x4000  }
0x299: {  	[sflag:s8] =	ssyncset.done $0x0  }
0x29a: {  	[sflag:s8] =	ssyncadd.s32 $0xFFFFC000  }
0x29b: {  	[tilespmem:s6], [sflag:$0x1] =	stream.strided.gather [hbm4b:s25+s4], $0x4000, s5, s4, $0x38;
	[tilespmem:$0xC100] =	vst v63  }
0x29c: {  	_ =	swait.ge [sflag:s12], $0x4000  }
0x29d: {  	[sflag:s12] =	ssyncset.done $0x0  }
0x29e: {  	[sflag:s12] =	ssyncadd.s32 $0xFFFFC000  }
0x29f: {  	[hbm4b:s26+s4] =	stream.strided.scatter [tilespmem:s7], [sflag:$0x5], $0x4000, s5, s4, $0x38;
	[tilespmem:$0xC100] =	vst v63  }
0x2a0: {  	_ =	swait.ge [sflag:s11], $0x4000  }
0x2a1: {  	[sflag:s11] =	ssyncset.done $0x0  }
0x2a2: {  	[sflag:s11] =	ssyncadd.s32 $0xFFFFC000  }
0x2a3: {  	[tilespmem:s7], [sflag:$0x2] =	stream.strided.gather [hbm4b:s28+s4], $0x4000, s5, s4, $0x38;
	[tilespmem:$0xC100] =	vst v63  }
0x2a4: {  	_ =	swait.ge [sflag:s13], $0x4000  }
0x2a5: {  	[sflag:s13] =	ssyncset.done $0x0  }
0x2a6: {  	[sflag:s13] =	ssyncadd.s32 $0xFFFFC000  }
0x2a7: {  	[hbm4b:s29+s4] =	stream.strided.scatter [tilespmem:s9], [sflag:$0x6], $0x4000, s5, s4, $0x38;
	[tilespmem:$0xC100] =	vst v63  }
0x2a8: {  	p0 =	sne.s32 s1, $0x1;
	_ =	swait.ge [sflag:s10], $0x4000  }
.Ltmp1:
0x2a9: {  	[sflag:s10] =	ssyncset.done $0x0;
	(pc) =	sbr.rel @p0 .LBB2_1-.Ltmp1, $4  }
0x2aa: {  	[sflag:s10] =	ssyncadd.s32 $0xFFFFC000  }
0x2ab: {  	[hbm4b:s30+s4] =	stream.strided.scatter [tilespmem:s6], [sflag:$0x4], $0x4000, s5, s4, $0x38;
	[tilespmem:$0xC100] =	vst v63  }
0x2ac: {  	_ =	swait.ge [sflag:s12], $0x4000  }
0x2ad: {  	s1 =	sadd.s32 $0xFFFFFFFF, s1;
	[sflag:s12] =	ssyncset.done $0x0  }
.LBB2_2:
0x2ae: {  	[sflag:s12] =	ssyncadd.s32 $0xFFFFC000  }
0x2af: {  	[hbm4b:s31+s4] =	stream.strided.scatter [tilespmem:s7], [sflag:$0x5], $0x4000, s5, s4, $0x38;
	[tilespmem:$0xC100] =	vst v63  }
0x2b0: {  	_ =	swait.ge [sflag:s14], $0x4000  }
0x2b1: {  	[sflag:s14] =	ssyncset.done $0x0  }
0x2b2: {  	[sflag:s14] =	ssyncadd.s32 $0xFFFFC000  }
0x2b3: {  	_ =	swait.ge [sflag:s8], $0x4000  }
0x2b4: {  	[sflag:s8] =	ssyncset.done $0x0  }
0x2b5: {  	[sflag:s8] =	ssyncadd.s32 $0xFFFFC000  }
0x2b6: {  	_ =	swait.ge [sflag:s11], $0x4000  }
0x2b7: {  	[sflag:s11] =	ssyncset.done $0x0  }
0x2b8: {  	[sflag:s11] =	ssyncadd.s32 $0xFFFFC000  }
0x2b9: {  	_ =	sfence.sel $0x180000  }
0x2ba: {  	[bflag:$0x0] =	sbarrier.arrive $0xFFFF  }
0x2bb: {  	_ =	strace $0x90000047  }
0x2bc: {  	s0 =	stileid.u32;
	[bflag:$0x2] =	sbarrier.arrive $0xFFFF  }
0x2bd: {  	p0 =	sne.s32 s0, $0x0;
	s0 =	rddreg [dreg:$0x3]  }
0x2be: {  	s0 =	sadd.s32 @!p0 $0x100000, s0  }
0x2bf: {  	[sflag:s0] =	ssyncadd.tile.s32 @!p0 $0x1;
	_ =	shalt  }
.Lfunc_end2:
_tile_overlayer_lowered:
.L_overlay_start_2:
0x2c0: {  	(tag) =	ssettag $0x2  }
0x2c1: {  	s0 =	rddreg [dreg:$0x0];
	s2 =	stileid.u32  }
0x2c2: {  	s1 =	rddreg [dreg:$0x1];
	p0 =	sne.s32 s2, $0x0  }
0x2c3: {  	s3 =	rddreg [dreg:$0x2];
	[bflag:$0x3] =	sbarrier.arrive $0xFFFF;
	s2 =	simm.s32 @!p0 $0x1C07  }
0x2c4: {  	[timem:s3], [sflag:s2] =	dma.local @!p0 [hbm:s0], s1  }
0x2c5: {  	s0 =	simm.s32 @!p0 $0x7  }
0x2c6: {  	_ =	swait.ge @!p0 [sflag:s0], s1  }
0x2c7: {  	s1 =	ssub.s32 @!p0 $0x0, s1;
	[sflag:s0] =	ssyncset.done @!p0 $0x0  }
0x2c8: {  	[sflag:s0] =	ssyncadd.s32 @!p0 s1  }
0x2c9: {  	[bflag:$0x3] =	sbarrier.arrive $0xFFFF  }
0x2ca: {  	_ =	shalt  }

</sc_bundles>
